<compile_context>
chip_gen: v7x
topology: tpu7x:2x2x1
jax: 0.10.2.dev20260603
libtpu: 0.0.44.dev20260713+nightly
codegen_flags: <defaults>
</compile_context>

<pallas_src>
import functools

import jax
import jax.numpy as jnp
from jax import lax
from jax.experimental import pallas as pl
from jax.experimental.pallas import tpu as pltpu
from jax.experimental.pallas import tpu_sc as plsc

ALPHA = 3.0
K = 20

_NUM_WORKERS = 32
_LANES = 128


def _pick_block_rows(n):
    for br in (80, 200, 128, 100, 64, 40, 16, 8):
        if n % br == 0 and br % 8 == 0:
            return br
    return n


def _nodevec_body(e1, w1, b1, e2, w2, b2, n1, n2):
    n1[...] = jnp.tanh(
        ALPHA * (lax.dot_general(e1[...], w1[...], (((1,), (1,)), ((), ())),
                                 preferred_element_type=jnp.float32) + b1[...]))
    n2[...] = jnp.tanh(
        ALPHA * (lax.dot_general(e2[...], w2[...], (((1,), (1,)), ((), ())),
                                 preferred_element_type=jnp.float32) + b2[...]))


def _nodevecs(emb1, emb2, W1, b1, W2, b2):
    n, d = emb1.shape
    out = jax.ShapeDtypeStruct((n, d), jnp.float32)
    return pl.pallas_call(
        _nodevec_body,
        out_shape=(out, out),
    )(emb1, W1, b1.reshape(1, d), emb2, W2, b2.reshape(1, d))


def _select_body(n1_ref, n2_ref, n1t_ref, n2t_ref, noise_ref,
                 pos_ref, valc_ref, valr_ref, off_smem, cstar_ref,
                 *, n, br, trash):
    b = pl.program_id(0)

    @pl.when(b == 0)
    def _():
        off_smem[0] = 0

    base = off_smem[0]
    r0 = b * br
    n1b = n1_ref[pl.ds(r0, br), :]
    n2b = n2_ref[pl.ds(r0, br), :]
    m1 = lax.dot_general(n1b, n2t_ref[...], (((1,), (0,)), ((), ())),
                         preferred_element_type=jnp.float32)
    m2 = lax.dot_general(n2b, n1t_ref[...], (((1,), (0,)), ((), ())),
                         preferred_element_type=jnp.float32)
    adj = jnp.maximum(jnp.tanh(ALPHA * (m1 - m2)), 0.0)
    v = adj + noise_ref[...]

    nfull = (n // 128) * 128
    fold = v[:, 0:128]
    for s in range(1, n // 128):
        fold = jnp.maximum(fold, v[:, s * 128:(s + 1) * 128])
    if nfull < n:
        lane = lax.broadcasted_iota(jnp.int32, (br, 128), 1)
        tail = jnp.where(lane >= 128 - (n - nfull), v[:, n - 128:n], 0.0)
        fold = jnp.maximum(fold, tail)
    g = fold
    s20 = jnp.max(g, axis=1, keepdims=True)
    for _ in range(K - 1):
        g = jnp.where(g == s20, -1.0, g)
        s20 = jnp.max(g, axis=1, keepdims=True)
    s20 = jnp.maximum(s20, 0.0)

    rowmax = jnp.max(fold, axis=1, keepdims=True)
    hi = lax.bitcast_convert_type(rowmax, jnp.int32) + 1
    lo = lax.bitcast_convert_type(s20, jnp.int32)

    def bs_cond(carry):
        blo, bhi = carry
        return jnp.max(bhi - blo) > 1

    def bs_body(carry):
        blo, bhi = carry
        mid = (blo + bhi) // 2
        t = lax.bitcast_convert_type(mid, jnp.float32)
        cnt = jnp.sum((v >= t).astype(jnp.float32), axis=1, keepdims=True)
        ge = cnt >= float(K)
        return jnp.where(ge, mid, blo), jnp.where(ge, bhi, mid)

    lo, hi = lax.while_loop(bs_cond, bs_body, (lo, hi))
    t20 = lax.bitcast_convert_type(lo, jnp.float32)

    n_ge = jnp.sum((v >= t20).astype(jnp.float32), axis=1, keepdims=True)
    n_gt = jnp.sum((v > t20).astype(jnp.float32), axis=1, keepdims=True)
    r_need = float(K) - n_gt
    eq = v == t20
    colid = lax.broadcasted_iota(jnp.int32, (br, n), 1)
    cstar_ref[...] = jnp.full((br, 1), n - 1, jnp.int32)

    @pl.when(jnp.max(n_ge) > float(K))
    def _():
        rn = jnp.maximum(r_need, 1.0)
        clo = jnp.full((br, 1), -1, jnp.int32)
        chi = jnp.full((br, 1), n - 1, jnp.int32)

        def ts_body(_, carry):
            tlo, thi = carry
            mid = (tlo + thi) // 2
            cm = jnp.sum(jnp.where(eq & (colid <= mid), 1.0, 0.0), axis=1,
                         keepdims=True)
            ge = cm >= rn
            return jnp.where(ge, tlo, mid), jnp.where(ge, mid, thi)

        _, cs = lax.fori_loop(0, 15, ts_body, (clo, chi))
        cstar_ref[...] = cs

    cstar = cstar_ref[...]
    sel = (v > t20) | (eq & (colid <= cstar) & (r_need >= 1.0))
    kept = sel & (adj > 0.0)

    counts = jnp.sum(kept.astype(jnp.float32), axis=1, keepdims=True)
    tri = (lax.broadcasted_iota(jnp.int32, (br, br), 0)
           > lax.broadcasted_iota(jnp.int32, (br, br), 1)).astype(jnp.float32)
    offs = lax.dot_general(tri, counts, (((1,), (0,)), ((), ())),
                           preferred_element_type=jnp.float32)
    offs_i = base + offs.astype(jnp.int32)

    big = jnp.int32(n)
    w = jnp.where(kept, colid, big)
    cols_list = []
    for _ in range(K):
        cj = jnp.min(w, axis=1, keepdims=True)
        cols_list.append(cj)
        w = jnp.where(w == cj, big, w)
    cols = jnp.concatenate(cols_list, axis=1)

    jidx = lax.broadcasted_iota(jnp.int32, (br, K), 1)
    valid = cols < big
    rowg = r0 + lax.broadcasted_iota(jnp.int32, (br, K), 0)
    pos_ref[...] = jnp.where(valid, offs_i + jidx, trash)
    valc_ref[...] = jnp.where(valid, cols, 0).astype(jnp.float32)
    valr_ref[...] = jnp.where(valid, rowg, 0).astype(jnp.float32)

    off_smem[0] = base + jnp.sum(counts).astype(jnp.int32)


def _select(n1, n2, noise, trash):
    n = n1.shape[0]
    br = _pick_block_rows(n)
    grid = n // br
    body = functools.partial(_select_body, n=n, br=br, trash=trash)
    full = pl.BlockSpec((n, n1.shape[1]), lambda b: (0, 0))
    fullt = pl.BlockSpec((n1.shape[1], n), lambda b: (0, 0))
    blk = pl.BlockSpec((br, n), lambda b: (b, 0))
    out = pl.BlockSpec((br, K), lambda b: (b, 0))
    return pl.pallas_call(
        body,
        grid=(grid,),
        in_specs=[full, full, fullt, fullt, blk],
        out_specs=[out, out, out],
        out_shape=[
            jax.ShapeDtypeStruct((n, K), jnp.int32),
            jax.ShapeDtypeStruct((n, K), jnp.float32),
            jax.ShapeDtypeStruct((n, K), jnp.float32),
        ],
        scratch_shapes=[pltpu.SMEM((1,), jnp.int32),
                        pltpu.VMEM((br, 1), jnp.int32)],
    )(n1, n2, n1.T, n2.T, noise)


def _scatter_body(pos_hbm, vc_hbm, vr_hbm, outr_hbm, outc_hbm,
                  idx_v, vc_v, vr_v, sem, *, chunks):
    wid = lax.axis_index("s") * 2 + lax.axis_index("c")
    pltpu.sync_copy(pos_hbm.at[wid], idx_v)
    pltpu.sync_copy(vc_hbm.at[wid], vc_v)
    pltpu.sync_copy(vr_hbm.at[wid], vr_v)

    def body(j, carry):
        cr = pltpu.async_copy(vr_v.at[j], outr_hbm.at[idx_v.at[j]], sem)
        cc = pltpu.async_copy(vc_v.at[j], outc_hbm.at[idx_v.at[j]], sem)
        cr.wait()
        cc.wait()
        return carry

    lax.fori_loop(0, chunks, body, 0)


def _worker_layout(x, n, rpw, chunks, pad_val):
    nk = x.shape[0] * K
    flat = x.reshape(-1)
    flat = jnp.pad(flat, (0, _NUM_WORKERS * rpw * K - nk),
                   constant_values=pad_val)
    per = flat.reshape(_NUM_WORKERS, rpw * K)
    per = jnp.pad(per, ((0, 0), (0, chunks * _LANES - rpw * K)),
                  constant_values=pad_val)
    return per.reshape(_NUM_WORKERS, chunks, _LANES)


def _scatter(pos, valc, valr, n, rpw, chunks, m_out):
    mesh = plsc.VectorSubcoreMesh(core_axis_name="c", subcore_axis_name="s")
    out = jax.ShapeDtypeStruct((m_out,), jnp.float32)
    kern = pl.kernel(
        functools.partial(_scatter_body, chunks=chunks),
        out_type=(out, out),
        mesh=mesh,
        scratch_types=[
            pltpu.VMEM((chunks, _LANES), jnp.int32),
            pltpu.VMEM((chunks, _LANES), jnp.float32),
            pltpu.VMEM((chunks, _LANES), jnp.float32),
            pltpu.SemaphoreType.DMA,
        ],
    )
    return kern(pos, valc, valr)


def kernel(emb1, emb2, W1, b1, W2, b2):
    n = emb1.shape[0]
    rpw = -(-n // _NUM_WORKERS)
    chunks = -(-(rpw * K) // _LANES)
    m_out = _NUM_WORKERS * chunks * _LANES
    trash = m_out - 8

    noise = jax.random.uniform(jax.random.key(1), (n, n),
                               dtype=jnp.float32) * 0.01
    n1, n2 = _nodevecs(emb1, emb2, W1, b1, W2, b2)
    pos, valc, valr = _select(n1, n2, noise, trash)

    posw = _worker_layout(pos, n, rpw, chunks, trash)
    vcw = _worker_layout(valc, n, rpw, chunks, 0.0)
    vrw = _worker_layout(valr, n, rpw, chunks, 0.0)
    outr, outc = _scatter(posw, vcw, vrw, n, rpw, chunks, m_out)
    return jnp.stack([outr[: n * K], outc[: n * K]])

# --- scband reference (transcript-rebuilt; emitter-appended) ---
"""Pipeline reference for scband-graph-constructor-85607288143883 (READ-ONLY COPY).

The authoritative reference and input builder live on the scoring server;
editing this copy changes nothing except your own understanding.
"""

import jax, jax.numpy as jnp
import numpy as np

NNODES = 10000
DIM = 128
ALPHA = 3.0
K = 20


def setup_inputs(seed: int = 0) -> dict:
    key = jax.random.key(seed)
    k1, k2, k3, k4, k5, k6 = jax.random.split(key, 6)
    s = 1.0 / np.sqrt(DIM)
    return {
        "emb1": jax.random.normal(k1, (NNODES, DIM), dtype=jnp.float32),
        "emb2": jax.random.normal(k2, (NNODES, DIM), dtype=jnp.float32),
        "W1": jax.random.uniform(k3, (DIM, DIM), jnp.float32, -s, s),
        "b1": jax.random.uniform(k4, (DIM,), jnp.float32, -s, s),
        "W2": jax.random.uniform(k5, (DIM, DIM), jnp.float32, -s, s),
        "b2": jax.random.uniform(k6, (DIM,), jnp.float32, -s, s),
    }


def reference(emb1, emb2, W1, b1, W2, b2):
    # forward(): idx = arange(nnodes); embedding lookup (identity gather here)
    idx = jnp.arange(NNODES)
    nodevec1 = jnp.take(emb1, idx, axis=0)
    nodevec2 = jnp.take(emb2, idx, axis=0)
    nodevec1 = jnp.tanh(ALPHA * (nodevec1 @ W1.T + b1))
    nodevec2 = jnp.tanh(ALPHA * (nodevec2 @ W2.T + b2))
    a = nodevec1 @ nodevec2.T - nodevec2 @ nodevec1.T
    adj = jax.nn.relu(jnp.tanh(ALPHA * a))
    # mask.fill_(0); topk over (adj + rand*0.01) along dim 1
    noise = jax.random.uniform(jax.random.key(1), adj.shape, dtype=jnp.float32) * 0.01
    s1, t1 = jax.lax.top_k(adj + noise, K)
    # mask.scatter_(1, t1, s1.fill_(1)) -> scatter ones at topk columns
    mask = jnp.zeros((NNODES, NNODES), dtype=jnp.float32)
    rows = jnp.arange(NNODES)[:, None]
    mask = mask.at[rows, t1].set(1.0)
    adj = adj * mask
    # edge_transform: A = adj.detach(); coo nonzero indices (row-major, like scipy)
    A = jax.lax.stop_gradient(adj)
    r, c = jnp.nonzero(A, size=NNODES * K, fill_value=0)
    edge_index = jnp.stack([r, c]).astype(jnp.float32)
    return edge_index

if __name__ == "__main__":
    import jax
    _d = setup_inputs()
    print(jax.jit(kernel)(*tuple(_d.values())))

</pallas_src>

<mosaic_0001>
#map = affine_map<(d0, d1) -> (0, 0, 0)>
#map1 = affine_map<(d0, d1) -> (0)>
module attributes {stable_mosaic.version = 14 : i64} {
  func.func @_scatter_body(%arg0: i32, %arg1: i32, %arg2: memref<32x49x128xi32, #tpu.memory_space<hbm>>, %arg3: memref<32x49x128xf32, #tpu.memory_space<hbm>>, %arg4: memref<32x49x128xf32, #tpu.memory_space<hbm>>, %arg5: memref<200704xf32, #tpu.memory_space<hbm>>, %arg6: memref<200704xf32, #tpu.memory_space<hbm>>, %arg7: memref<49x128xi32, #tpu.memory_space<vmem>>, %arg8: memref<49x128xf32, #tpu.memory_space<vmem>>, %arg9: memref<49x128xf32, #tpu.memory_space<vmem>>, %arg10: memref<!tpu.dma_semaphore, #tpu.memory_space<semaphore_mem>>) attributes {dimension_semantics = [#tpu.dimension_semantics<core_parallel>, #tpu.dimension_semantics<subcore_parallel>], iteration_bounds = array<i64: 2, 16>, scalar_prefetch = 0 : i64, scratch_operands = 4 : i64, tpu.core_type = #tpu.core_type<sc_vector_subcore>, window_params = [{transform_indices = #map}, {transform_indices = #map}, {transform_indices = #map}, {transform_indices = #map1}, {transform_indices = #map1}]} {
    %mul3A = arith.constant 2 : i32
    %mul3A_0 = arith.muli %arg1, %mul3A : i32
    %add3A = arith.addi %mul3A_0, %arg0 : i32
    "tpu.region"() ({
      %run_scoped3A = tpu.sem_alloc : memref<!tpu.dma_semaphore, #tpu.memory_space<semaphore_mem>>
      %dma_start3A = arith.constant 0 : i32
      %dma_start3A_6 = arith.constant 0 : i32
      %dma_start3A_7 = tpu.memref_slice %arg2[%add3A, %dma_start3A, %dma_start3A_6] : memref<32x49x128xi32, #tpu.memory_space<hbm>> -> memref<1x49x128xi32, #tpu.memory_space<hbm>>
      %dma_start3A_8 = tpu.memref_squeeze %dma_start3A_7 : memref<1x49x128xi32, #tpu.memory_space<hbm>> -> memref<49x128xi32, #tpu.memory_space<hbm>>
      %dma_start3A_9 = arith.constant 0 : i32
      %dma_start3A_10 = arith.constant 0 : i32
      %dma_start3A_11 = tpu.memref_slice %arg2[%add3A, %dma_start3A_9, %dma_start3A_10] : memref<32x49x128xi32, #tpu.memory_space<hbm>> -> memref<1x49x128xi32, #tpu.memory_space<hbm>>
      %dma_start3A_12 = tpu.memref_squeeze %dma_start3A_11 : memref<1x49x128xi32, #tpu.memory_space<hbm>> -> memref<49x128xi32, #tpu.memory_space<hbm>>
      tpu.enqueue_dma source(%dma_start3A_12 : memref<49x128xi32, #tpu.memory_space<hbm>>) target(%arg7 : memref<49x128xi32, #tpu.memory_space<vmem>>) target_semaphore(%run_scoped3A : memref<!tpu.dma_semaphore, #tpu.memory_space<semaphore_mem>>)
      %dma_wait3A = arith.constant 0 : i32
      %dma_wait3A_13 = arith.constant 0 : i32
      %dma_wait3A_14 = tpu.memref_slice %arg2[%add3A, %dma_wait3A, %dma_wait3A_13] : memref<32x49x128xi32, #tpu.memory_space<hbm>> -> memref<1x49x128xi32, #tpu.memory_space<hbm>>
      %dma_wait3A_15 = tpu.memref_squeeze %dma_wait3A_14 : memref<1x49x128xi32, #tpu.memory_space<hbm>> -> memref<49x128xi32, #tpu.memory_space<hbm>>
      %dma_wait3A_16 = arith.constant 0 : i32
      %dma_wait3A_17 = arith.constant 0 : i32
      %dma_wait3A_18 = tpu.memref_slice %arg2[%add3A, %dma_wait3A_16, %dma_wait3A_17] : memref<32x49x128xi32, #tpu.memory_space<hbm>> -> memref<1x49x128xi32, #tpu.memory_space<hbm>>
      %dma_wait3A_19 = tpu.memref_squeeze %dma_wait3A_18 : memref<1x49x128xi32, #tpu.memory_space<hbm>> -> memref<49x128xi32, #tpu.memory_space<hbm>>
      tpu.wait_dma2 semaphore(%run_scoped3A : memref<!tpu.dma_semaphore, #tpu.memory_space<semaphore_mem>>) src(%dma_wait3A_19 : memref<49x128xi32, #tpu.memory_space<hbm>>) dst(%arg7 : memref<49x128xi32, #tpu.memory_space<vmem>>)
      tpu.yield
    }) : () -> ()
    "tpu.region"() ({
      %run_scoped3A = tpu.sem_alloc : memref<!tpu.dma_semaphore, #tpu.memory_space<semaphore_mem>>
      %dma_start3A = arith.constant 0 : i32
      %dma_start3A_6 = arith.constant 0 : i32
      %dma_start3A_7 = tpu.memref_slice %arg3[%add3A, %dma_start3A, %dma_start3A_6] : memref<32x49x128xf32, #tpu.memory_space<hbm>> -> memref<1x49x128xf32, #tpu.memory_space<hbm>>
      %dma_start3A_8 = tpu.memref_squeeze %dma_start3A_7 : memref<1x49x128xf32, #tpu.memory_space<hbm>> -> memref<49x128xf32, #tpu.memory_space<hbm>>
      %dma_start3A_9 = arith.constant 0 : i32
      %dma_start3A_10 = arith.constant 0 : i32
      %dma_start3A_11 = tpu.memref_slice %arg3[%add3A, %dma_start3A_9, %dma_start3A_10] : memref<32x49x128xf32, #tpu.memory_space<hbm>> -> memref<1x49x128xf32, #tpu.memory_space<hbm>>
      %dma_start3A_12 = tpu.memref_squeeze %dma_start3A_11 : memref<1x49x128xf32, #tpu.memory_space<hbm>> -> memref<49x128xf32, #tpu.memory_space<hbm>>
      tpu.enqueue_dma source(%dma_start3A_12 : memref<49x128xf32, #tpu.memory_space<hbm>>) target(%arg8 : memref<49x128xf32, #tpu.memory_space<vmem>>) target_semaphore(%run_scoped3A : memref<!tpu.dma_semaphore, #tpu.memory_space<semaphore_mem>>)
      %dma_wait3A = arith.constant 0 : i32
      %dma_wait3A_13 = arith.constant 0 : i32
      %dma_wait3A_14 = tpu.memref_slice %arg3[%add3A, %dma_wait3A, %dma_wait3A_13] : memref<32x49x128xf32, #tpu.memory_space<hbm>> -> memref<1x49x128xf32, #tpu.memory_space<hbm>>
      %dma_wait3A_15 = tpu.memref_squeeze %dma_wait3A_14 : memref<1x49x128xf32, #tpu.memory_space<hbm>> -> memref<49x128xf32, #tpu.memory_space<hbm>>
      %dma_wait3A_16 = arith.constant 0 : i32
      %dma_wait3A_17 = arith.constant 0 : i32
      %dma_wait3A_18 = tpu.memref_slice %arg3[%add3A, %dma_wait3A_16, %dma_wait3A_17] : memref<32x49x128xf32, #tpu.memory_space<hbm>> -> memref<1x49x128xf32, #tpu.memory_space<hbm>>
      %dma_wait3A_19 = tpu.memref_squeeze %dma_wait3A_18 : memref<1x49x128xf32, #tpu.memory_space<hbm>> -> memref<49x128xf32, #tpu.memory_space<hbm>>
      tpu.wait_dma2 semaphore(%run_scoped3A : memref<!tpu.dma_semaphore, #tpu.memory_space<semaphore_mem>>) src(%dma_wait3A_19 : memref<49x128xf32, #tpu.memory_space<hbm>>) dst(%arg8 : memref<49x128xf32, #tpu.memory_space<vmem>>)
      tpu.yield
    }) : () -> ()
    "tpu.region"() ({
      %run_scoped3A = tpu.sem_alloc : memref<!tpu.dma_semaphore, #tpu.memory_space<semaphore_mem>>
      %dma_start3A = arith.constant 0 : i32
      %dma_start3A_6 = arith.constant 0 : i32
      %dma_start3A_7 = tpu.memref_slice %arg4[%add3A, %dma_start3A, %dma_start3A_6] : memref<32x49x128xf32, #tpu.memory_space<hbm>> -> memref<1x49x128xf32, #tpu.memory_space<hbm>>
      %dma_start3A_8 = tpu.memref_squeeze %dma_start3A_7 : memref<1x49x128xf32, #tpu.memory_space<hbm>> -> memref<49x128xf32, #tpu.memory_space<hbm>>
      %dma_start3A_9 = arith.constant 0 : i32
      %dma_start3A_10 = arith.constant 0 : i32
      %dma_start3A_11 = tpu.memref_slice %arg4[%add3A, %dma_start3A_9, %dma_start3A_10] : memref<32x49x128xf32, #tpu.memory_space<hbm>> -> memref<1x49x128xf32, #tpu.memory_space<hbm>>
      %dma_start3A_12 = tpu.memref_squeeze %dma_start3A_11 : memref<1x49x128xf32, #tpu.memory_space<hbm>> -> memref<49x128xf32, #tpu.memory_space<hbm>>
      tpu.enqueue_dma source(%dma_start3A_12 : memref<49x128xf32, #tpu.memory_space<hbm>>) target(%arg9 : memref<49x128xf32, #tpu.memory_space<vmem>>) target_semaphore(%run_scoped3A : memref<!tpu.dma_semaphore, #tpu.memory_space<semaphore_mem>>)
      %dma_wait3A = arith.constant 0 : i32
      %dma_wait3A_13 = arith.constant 0 : i32
      %dma_wait3A_14 = tpu.memref_slice %arg4[%add3A, %dma_wait3A, %dma_wait3A_13] : memref<32x49x128xf32, #tpu.memory_space<hbm>> -> memref<1x49x128xf32, #tpu.memory_space<hbm>>
      %dma_wait3A_15 = tpu.memref_squeeze %dma_wait3A_14 : memref<1x49x128xf32, #tpu.memory_space<hbm>> -> memref<49x128xf32, #tpu.memory_space<hbm>>
      %dma_wait3A_16 = arith.constant 0 : i32
      %dma_wait3A_17 = arith.constant 0 : i32
      %dma_wait3A_18 = tpu.memref_slice %arg4[%add3A, %dma_wait3A_16, %dma_wait3A_17] : memref<32x49x128xf32, #tpu.memory_space<hbm>> -> memref<1x49x128xf32, #tpu.memory_space<hbm>>
      %dma_wait3A_19 = tpu.memref_squeeze %dma_wait3A_18 : memref<1x49x128xf32, #tpu.memory_space<hbm>> -> memref<49x128xf32, #tpu.memory_space<hbm>>
      tpu.wait_dma2 semaphore(%run_scoped3A : memref<!tpu.dma_semaphore, #tpu.memory_space<semaphore_mem>>) src(%dma_wait3A_19 : memref<49x128xf32, #tpu.memory_space<hbm>>) dst(%arg9 : memref<49x128xf32, #tpu.memory_space<vmem>>)
      tpu.yield
    }) : () -> ()
    %scan3A = arith.constant 0 : i32
    %scan3A_1 = arith.constant 0 : i32
    %scan3A_2 = arith.constant 49 : i32
    %scan3A_3 = arith.addi %scan3A_1, %scan3A_2 : i32
    %scan3A_4 = arith.constant 1 : i32
    scf.for %scan3A_6 = %scan3A_1 to %scan3A_3 step %scan3A_4  : i32 {
      %dma_start3A = arith.constant 0 : i32
      %dma_start3A_7 = tpu.memref_slice %arg9[%scan3A_6, %dma_start3A] : memref<49x128xf32, #tpu.memory_space<vmem>> -> memref<1x128xf32, #tpu.memory_space<vmem>>
      %dma_start3A_8 = tpu.memref_squeeze %dma_start3A_7 : memref<1x128xf32, #tpu.memory_space<vmem>> -> memref<128xf32, #tpu.memory_space<vmem>>
      %dma_start3A_9 = arith.constant 0 : i32
      %dma_start3A_10 = tpu.memref_slice %arg7[%scan3A_6, %dma_start3A_9] : memref<49x128xi32, #tpu.memory_space<vmem>> -> memref<1x128xi32, #tpu.memory_space<vmem>>
      %dma_start3A_11 = tpu.memref_squeeze %dma_start3A_10 : memref<1x128xi32, #tpu.memory_space<vmem>> -> memref<128xi32, #tpu.memory_space<vmem>>
      %dma_start3A_12 = arith.constant 0 : i32
      %dma_start3A_13 = tpu.memref_slice %arg5[%dma_start3A_12] : memref<200704xf32, #tpu.memory_space<hbm>> -> memref<200704xf32, #tpu.memory_space<hbm>>
      tpu.enqueue_indirect_dma source(%dma_start3A_8 : memref<128xf32, #tpu.memory_space<vmem>>) target(%dma_start3A_13 : memref<200704xf32, #tpu.memory_space<hbm>>) offsets(%dma_start3A_11 : memref<128xi32, #tpu.memory_space<vmem>>) semaphore(%arg10 : memref<!tpu.dma_semaphore, #tpu.memory_space<semaphore_mem>>)
      %dma_start3A_14 = arith.constant 0 : i32
      %dma_start3A_15 = tpu.memref_slice %arg8[%scan3A_6, %dma_start3A_14] : memref<49x128xf32, #tpu.memory_space<vmem>> -> memref<1x128xf32, #tpu.memory_space<vmem>>
      %dma_start3A_16 = tpu.memref_squeeze %dma_start3A_15 : memref<1x128xf32, #tpu.memory_space<vmem>> -> memref<128xf32, #tpu.memory_space<vmem>>
      %dma_start3A_17 = arith.constant 0 : i32
      %dma_start3A_18 = tpu.memref_slice %arg7[%scan3A_6, %dma_start3A_17] : memref<49x128xi32, #tpu.memory_space<vmem>> -> memref<1x128xi32, #tpu.memory_space<vmem>>
      %dma_start3A_19 = tpu.memref_squeeze %dma_start3A_18 : memref<1x128xi32, #tpu.memory_space<vmem>> -> memref<128xi32, #tpu.memory_space<vmem>>
      %dma_start3A_20 = arith.constant 0 : i32
      %dma_start3A_21 = tpu.memref_slice %arg6[%dma_start3A_20] : memref<200704xf32, #tpu.memory_space<hbm>> -> memref<200704xf32, #tpu.memory_space<hbm>>
      tpu.enqueue_indirect_dma source(%dma_start3A_16 : memref<128xf32, #tpu.memory_space<vmem>>) target(%dma_start3A_21 : memref<200704xf32, #tpu.memory_space<hbm>>) offsets(%dma_start3A_19 : memref<128xi32, #tpu.memory_space<vmem>>) semaphore(%arg10 : memref<!tpu.dma_semaphore, #tpu.memory_space<semaphore_mem>>)
      %dma_wait3A = arith.constant 0 : i32
      %dma_wait3A_22 = tpu.memref_slice %arg9[%scan3A_6, %dma_wait3A] : memref<49x128xf32, #tpu.memory_space<vmem>> -> memref<1x128xf32, #tpu.memory_space<vmem>>
      %dma_wait3A_23 = tpu.memref_squeeze %dma_wait3A_22 : memref<1x128xf32, #tpu.memory_space<vmem>> -> memref<128xf32, #tpu.memory_space<vmem>>
      %dma_wait3A_24 = arith.constant 0 : i32
      %dma_wait3A_25 = tpu.memref_slice %arg7[%scan3A_6, %dma_wait3A_24] : memref<49x128xi32, #tpu.memory_space<vmem>> -> memref<1x128xi32, #tpu.memory_space<vmem>>
      %dma_wait3A_26 = tpu.memref_squeeze %dma_wait3A_25 : memref<1x128xi32, #tpu.memory_space<vmem>> -> memref<128xi32, #tpu.memory_space<vmem>>
      %dma_wait3A_27 = arith.constant 0 : i32
      %dma_wait3A_28 = tpu.memref_slice %arg5[%dma_wait3A_27] : memref<200704xf32, #tpu.memory_space<hbm>> -> memref<200704xf32, #tpu.memory_space<hbm>>
      tpu.wait_indirect_dma semaphore(%arg10 : memref<!tpu.dma_semaphore, #tpu.memory_space<semaphore_mem>>) src(%dma_wait3A_23 : memref<128xf32, #tpu.memory_space<vmem>>) dst(%dma_wait3A_28 : memref<200704xf32, #tpu.memory_space<hbm>>)
      %dma_wait3A_29 = arith.constant 0 : i32
      %dma_wait3A_30 = tpu.memref_slice %arg8[%scan3A_6, %dma_wait3A_29] : memref<49x128xf32, #tpu.memory_space<vmem>> -> memref<1x128xf32, #tpu.memory_space<vmem>>
      %dma_wait3A_31 = tpu.memref_squeeze %dma_wait3A_30 : memref<1x128xf32, #tpu.memory_space<vmem>> -> memref<128xf32, #tpu.memory_space<vmem>>
      %dma_wait3A_32 = arith.constant 0 : i32
      %dma_wait3A_33 = tpu.memref_slice %arg7[%scan3A_6, %dma_wait3A_32] : memref<49x128xi32, #tpu.memory_space<vmem>> -> memref<1x128xi32, #tpu.memory_space<vmem>>
      %dma_wait3A_34 = tpu.memref_squeeze %dma_wait3A_33 : memref<1x128xi32, #tpu.memory_space<vmem>> -> memref<128xi32, #tpu.memory_space<vmem>>
      %dma_wait3A_35 = arith.constant 0 : i32
      %dma_wait3A_36 = tpu.memref_slice %arg6[%dma_wait3A_35] : memref<200704xf32, #tpu.memory_space<hbm>> -> memref<200704xf32, #tpu.memory_space<hbm>>
      tpu.wait_indirect_dma semaphore(%arg10 : memref<!tpu.dma_semaphore, #tpu.memory_space<semaphore_mem>>) src(%dma_wait3A_31 : memref<128xf32, #tpu.memory_space<vmem>>) dst(%dma_wait3A_36 : memref<200704xf32, #tpu.memory_space<hbm>>)
    }
    %scan3A_5 = arith.constant 49 : i32
    return
  }
}

module attributes {stable_mosaic.version = 14 : i64} {
  func.func @_nodevec_body(%arg0: memref<10000x128xf32, #tpu.memory_space<vmem>>, %arg1: memref<128x128xf32, #tpu.memory_space<vmem>>, %arg2: memref<1x128xf32, #tpu.memory_space<vmem>>, %arg3: memref<10000x128xf32, #tpu.memory_space<vmem>>, %arg4: memref<128x128xf32, #tpu.memory_space<vmem>>, %arg5: memref<1x128xf32, #tpu.memory_space<vmem>>, %arg6: memref<10000x128xf32, #tpu.memory_space<vmem>>, %arg7: memref<10000x128xf32, #tpu.memory_space<vmem>>) attributes {dimension_semantics = [], scalar_prefetch = 0 : i64, scratch_operands = 0 : i64, tpu.core_type = #tpu.core_type<tc>} {
    %get3A = arith.constant 0 : index
    %get3A_0 = arith.constant 0 : index
    %get3A_1 = vector.load %arg0[%get3A, %get3A_0] : memref<10000x128xf32, #tpu.memory_space<vmem>>, vector<10000x128xf32>
    %get3A_2 = arith.constant 0 : index
    %get3A_3 = arith.constant 0 : index
    %get3A_4 = vector.load %arg1[%get3A_2, %get3A_3] : memref<128x128xf32, #tpu.memory_space<vmem>>, vector<128x128xf32>
    %dot_general3A = arith.constant dense<0.000000e+00> : vector<10000x128xf32>
    %dot_general3A_5 = tpu.matmul %get3A_1, %get3A_4, %dot_general3A {dimension_numbers = #tpu.dot_dimension_numbers<[1], [1], [0], [0], [0, 0, 1, 0], [], []>, transpose_lhs_hint = false} : vector<10000x128xf32>, vector<128x128xf32>, vector<10000x128xf32> -> vector<10000x128xf32>
    %get3A_6 = arith.constant 0 : index
    %get3A_7 = arith.constant 0 : index
    %get3A_8 = vector.load %arg2[%get3A_6, %get3A_7] : memref<1x128xf32, #tpu.memory_space<vmem>>, vector<1x128xf32>
    %add3A = vector.broadcast %get3A_8 : vector<1x128xf32> to vector<10000x128xf32>
    %add3A_9 = arith.addf %dot_general3A_5, %add3A : vector<10000x128xf32>
    %mul3A = arith.constant 3.000000e+00 : f32
    %mul3A_10 = vector.broadcast %mul3A : f32 to vector<10000x128xf32>
    %mul3A_11 = arith.mulf %mul3A_10, %add3A_9 : vector<10000x128xf32>
    %tanh3A = math.tanh %mul3A_11 : vector<10000x128xf32>
    %swap3A = arith.constant 0 : index
    %swap3A_12 = arith.constant 0 : index
    %swap3A_13 = vector.load %arg6[%swap3A, %swap3A_12] : memref<10000x128xf32, #tpu.memory_space<vmem>>, vector<10000x128xf32>
    tpu.vector_store %arg6[%swap3A, %swap3A_12], %tanh3A {strides = array<i32>} : memref<10000x128xf32, #tpu.memory_space<vmem>>, vector<10000x128xf32>,
    %get3A_14 = arith.constant 0 : index
    %get3A_15 = arith.constant 0 : index
    %get3A_16 = vector.load %arg3[%get3A_14, %get3A_15] : memref<10000x128xf32, #tpu.memory_space<vmem>>, vector<10000x128xf32>
    %get3A_17 = arith.constant 0 : index
    %get3A_18 = arith.constant 0 : index
    %get3A_19 = vector.load %arg4[%get3A_17, %get3A_18] : memref<128x128xf32, #tpu.memory_space<vmem>>, vector<128x128xf32>
    %dot_general3A_20 = arith.constant dense<0.000000e+00> : vector<10000x128xf32>
    %dot_general3A_21 = tpu.matmul %get3A_16, %get3A_19, %dot_general3A_20 {dimension_numbers = #tpu.dot_dimension_numbers<[1], [1], [0], [0], [0, 0, 1, 0], [], []>, transpose_lhs_hint = false} : vector<10000x128xf32>, vector<128x128xf32>, vector<10000x128xf32> -> vector<10000x128xf32>
    %get3A_22 = arith.constant 0 : index
    %get3A_23 = arith.constant 0 : index
    %get3A_24 = vector.load %arg5[%get3A_22, %get3A_23] : memref<1x128xf32, #tpu.memory_space<vmem>>, vector<1x128xf32>
    %add3A_25 = vector.broadcast %get3A_24 : vector<1x128xf32> to vector<10000x128xf32>
    %add3A_26 = arith.addf %dot_general3A_21, %add3A_25 : vector<10000x128xf32>
    %mul3A_27 = arith.constant 3.000000e+00 : f32
    %mul3A_28 = vector.broadcast %mul3A_27 : f32 to vector<10000x128xf32>
    %mul3A_29 = arith.mulf %mul3A_28, %add3A_26 : vector<10000x128xf32>
    %tanh3A_30 = math.tanh %mul3A_29 : vector<10000x128xf32>
    %swap3A_31 = arith.constant 0 : index
    %swap3A_32 = arith.constant 0 : index
    %swap3A_33 = vector.load %arg7[%swap3A_31, %swap3A_32] : memref<10000x128xf32, #tpu.memory_space<vmem>>, vector<10000x128xf32>
    tpu.vector_store %arg7[%swap3A_31, %swap3A_32], %tanh3A_30 {strides = array<i32>} : memref<10000x128xf32, #tpu.memory_space<vmem>>, vector<10000x128xf32>,
    return
  }
}

module attributes {stable_mosaic.version = 14 : i64} {
  func.func @_select_body(%arg0: i32, %arg1: memref<10000x128xf32, #tpu.memory_space<vmem>>, %arg2: memref<10000x128xf32, #tpu.memory_space<vmem>>, %arg3: memref<128x10000xf32, #tpu.memory_space<vmem>>, %arg4: memref<128x10000xf32, #tpu.memory_space<vmem>>, %arg5: memref<80x10000xf32, #tpu.memory_space<vmem>>, %arg6: memref<80x20xi32, #tpu.memory_space<vmem>>, %arg7: memref<80x20xf32, #tpu.memory_space<vmem>>, %arg8: memref<80x20xf32, #tpu.memory_space<vmem>>, %arg9: memref<1xi32, #tpu.memory_space<smem>>, %arg10: memref<80x1xi32, #tpu.memory_space<vmem>>) attributes {dimension_semantics = [#tpu.dimension_semantics<arbitrary>], iteration_bounds = array<i64: 125>, scalar_prefetch = 0 : i64, scratch_operands = 2 : i64, tpu.core_type = #tpu.core_type<tc>, window_params = [{pipeline_mode = #tpu.pipeline_mode<synchronous>, transform_indices = @transform_0, window_bounds = array<i64: 10000, 128>}, {pipeline_mode = #tpu.pipeline_mode<synchronous>, transform_indices = @transform_1, window_bounds = array<i64: 10000, 128>}, {pipeline_mode = #tpu.pipeline_mode<synchronous>, transform_indices = @transform_2, window_bounds = array<i64: 128, 10000>}, {pipeline_mode = #tpu.pipeline_mode<synchronous>, transform_indices = @transform_3, window_bounds = array<i64: 128, 10000>}, {transform_indices = @transform_4, window_bounds = array<i64: 80, 10000>}, {transform_indices = @transform_5, window_bounds = array<i64: 80, 20>}, {transform_indices = @transform_6, window_bounds = array<i64: 80, 20>}, {transform_indices = @transform_7, window_bounds = array<i64: 80, 20>}]} {
    %eq3A = arith.constant 0 : i32
    %eq3A_0 = arith.cmpi eq, %arg0, %eq3A : i32
    %convert_element_type3A = arith.extui %eq3A_0 : i1 to i32
    %cond3A = arith.constant 0 : i32
    %cond3A_1 = arith.cmpi ne, %convert_element_type3A, %cond3A : i32
    scf.if %cond3A_1 {
      %swap3A_606 = arith.constant 0 : i32
      %swap3A_607 = arith.constant 0 : index
      %swap3A_608 = memref.load %arg9[%swap3A_607] : memref<1xi32, #tpu.memory_space<smem>>
      memref.store %swap3A_606, %arg9[%swap3A_607] : memref<1xi32, #tpu.memory_space<smem>>
    } else {
    }
    %get3A = arith.constant 0 : index
    %get3A_2 = memref.load %arg9[%get3A] : memref<1xi32, #tpu.memory_space<smem>>
    %mul3A = arith.constant 80 : i32
    %mul3A_3 = arith.muli %arg0, %mul3A : i32
    %get3A_4 = arith.index_cast %mul3A_3 : i32 to index
    %get3A_5 = arith.constant 0 : index
    %get3A_6 = vector.load %arg1[%get3A_4, %get3A_5] : memref<10000x128xf32, #tpu.memory_space<vmem>>, vector<80x128xf32>
    %get3A_7 = arith.index_cast %mul3A_3 : i32 to index
    %get3A_8 = arith.constant 0 : index
    %get3A_9 = vector.load %arg2[%get3A_7, %get3A_8] : memref<10000x128xf32, #tpu.memory_space<vmem>>, vector<80x128xf32>
    %get3A_10 = arith.constant 0 : index
    %get3A_11 = arith.constant 0 : index
    %get3A_12 = vector.load %arg4[%get3A_10, %get3A_11] : memref<128x10000xf32, #tpu.memory_space<vmem>>, vector<128x10000xf32>
    %dot_general3A = arith.constant dense<0.000000e+00> : vector<80x10000xf32>
    %dot_general3A_13 = tpu.matmul %get3A_6, %get3A_12, %dot_general3A {dimension_numbers = #tpu.dot_dimension_numbers<[1], [0], [0], [1], [0, 0, 1, 1], [], []>, transpose_lhs_hint = false} : vector<80x128xf32>, vector<128x10000xf32>, vector<80x10000xf32> -> vector<80x10000xf32>
    %get3A_14 = arith.constant 0 : index
    %get3A_15 = arith.constant 0 : index
    %get3A_16 = vector.load %arg3[%get3A_14, %get3A_15] : memref<128x10000xf32, #tpu.memory_space<vmem>>, vector<128x10000xf32>
    %dot_general3A_17 = arith.constant dense<0.000000e+00> : vector<80x10000xf32>
    %dot_general3A_18 = tpu.matmul %get3A_9, %get3A_16, %dot_general3A_17 {dimension_numbers = #tpu.dot_dimension_numbers<[1], [0], [0], [1], [0, 0, 1, 1], [], []>, transpose_lhs_hint = false} : vector<80x128xf32>, vector<128x10000xf32>, vector<80x10000xf32> -> vector<80x10000xf32>
    %sub3A = arith.subf %dot_general3A_13, %dot_general3A_18 : vector<80x10000xf32>
    %mul3A_19 = arith.constant 3.000000e+00 : f32
    %mul3A_20 = vector.broadcast %mul3A_19 : f32 to vector<80x10000xf32>
    %mul3A_21 = arith.mulf %mul3A_20, %sub3A : vector<80x10000xf32>
    %tanh3A = math.tanh %mul3A_21 : vector<80x10000xf32>
    %max3A = arith.constant 0.000000e+00 : f32
    %max3A_22 = vector.broadcast %max3A : f32 to vector<80x10000xf32>
    %max3A_23 = arith.maximumf %tanh3A, %max3A_22 : vector<80x10000xf32>
    %get3A_24 = arith.constant 0 : index
    %get3A_25 = arith.constant 0 : index
    %get3A_26 = vector.load %arg5[%get3A_24, %get3A_25] : memref<80x10000xf32, #tpu.memory_space<vmem>>, vector<80x10000xf32>
    %add3A = arith.addf %max3A_23, %get3A_26 : vector<80x10000xf32>
    %slice3A = vector.extract_strided_slice %add3A {offsets = [0, 0], sizes = [80, 128], strides = [1, 1]} : vector<80x10000xf32> to vector<80x128xf32>
    %slice3A_27 = vector.extract_strided_slice %add3A {offsets = [0, 128], sizes = [80, 128], strides = [1, 1]} : vector<80x10000xf32> to vector<80x128xf32>
    %max3A_28 = arith.maximumf %slice3A, %slice3A_27 : vector<80x128xf32>
    %slice3A_29 = vector.extract_strided_slice %add3A {offsets = [0, 256], sizes = [80, 128], strides = [1, 1]} : vector<80x10000xf32> to vector<80x128xf32>
    %max3A_30 = arith.maximumf %max3A_28, %slice3A_29 : vector<80x128xf32>
    %slice3A_31 = vector.extract_strided_slice %add3A {offsets = [0, 384], sizes = [80, 128], strides = [1, 1]} : vector<80x10000xf32> to vector<80x128xf32>
    %max3A_32 = arith.maximumf %max3A_30, %slice3A_31 : vector<80x128xf32>
    %slice3A_33 = vector.extract_strided_slice %add3A {offsets = [0, 512], sizes = [80, 128], strides = [1, 1]} : vector<80x10000xf32> to vector<80x128xf32>
    %max3A_34 = arith.maximumf %max3A_32, %slice3A_33 : vector<80x128xf32>
    %slice3A_35 = vector.extract_strided_slice %add3A {offsets = [0, 640], sizes = [80, 128], strides = [1, 1]} : vector<80x10000xf32> to vector<80x128xf32>
    %max3A_36 = arith.maximumf %max3A_34, %slice3A_35 : vector<80x128xf32>
    %slice3A_37 = vector.extract_strided_slice %add3A {offsets = [0, 768], sizes = [80, 128], strides = [1, 1]} : vector<80x10000xf32> to vector<80x128xf32>
    %max3A_38 = arith.maximumf %max3A_36, %slice3A_37 : vector<80x128xf32>
    %slice3A_39 = vector.extract_strided_slice %add3A {offsets = [0, 896], sizes = [80, 128], strides = [1, 1]} : vector<80x10000xf32> to vector<80x128xf32>
    %max3A_40 = arith.maximumf %max3A_38, %slice3A_39 : vector<80x128xf32>
    %slice3A_41 = vector.extract_strided_slice %add3A {offsets = [0, 1024], sizes = [80, 128], strides = [1, 1]} : vector<80x10000xf32> to vector<80x128xf32>
    %max3A_42 = arith.maximumf %max3A_40, %slice3A_41 : vector<80x128xf32>
    %slice3A_43 = vector.extract_strided_slice %add3A {offsets = [0, 1152], sizes = [80, 128], strides = [1, 1]} : vector<80x10000xf32> to vector<80x128xf32>
    %max3A_44 = arith.maximumf %max3A_42, %slice3A_43 : vector<80x128xf32>
    %slice3A_45 = vector.extract_strided_slice %add3A {offsets = [0, 1280], sizes = [80, 128], strides = [1, 1]} : vector<80x10000xf32> to vector<80x128xf32>
    %max3A_46 = arith.maximumf %max3A_44, %slice3A_45 : vector<80x128xf32>
    %slice3A_47 = vector.extract_strided_slice %add3A {offsets = [0, 1408], sizes = [80, 128], strides = [1, 1]} : vector<80x10000xf32> to vector<80x128xf32>
    %max3A_48 = arith.maximumf %max3A_46, %slice3A_47 : vector<80x128xf32>
    %slice3A_49 = vector.extract_strided_slice %add3A {offsets = [0, 1536], sizes = [80, 128], strides = [1, 1]} : vector<80x10000xf32> to vector<80x128xf32>
    %max3A_50 = arith.maximumf %max3A_48, %slice3A_49 : vector<80x128xf32>
    %slice3A_51 = vector.extract_strided_slice %add3A {offsets = [0, 1664], sizes = [80, 128], strides = [1, 1]} : vector<80x10000xf32> to vector<80x128xf32>
    %max3A_52 = arith.maximumf %max3A_50, %slice3A_51 : vector<80x128xf32>
    %slice3A_53 = vector.extract_strided_slice %add3A {offsets = [0, 1792], sizes = [80, 128], strides = [1, 1]} : vector<80x10000xf32> to vector<80x128xf32>
    %max3A_54 = arith.maximumf %max3A_52, %slice3A_53 : vector<80x128xf32>
    %slice3A_55 = vector.extract_strided_slice %add3A {offsets = [0, 1920], sizes = [80, 128], strides = [1, 1]} : vector<80x10000xf32> to vector<80x128xf32>
    %max3A_56 = arith.maximumf %max3A_54, %slice3A_55 : vector<80x128xf32>
    %slice3A_57 = vector.extract_strided_slice %add3A {offsets = [0, 2048], sizes = [80, 128], strides = [1, 1]} : vector<80x10000xf32> to vector<80x128xf32>
    %max3A_58 = arith.maximumf %max3A_56, %slice3A_57 : vector<80x128xf32>
    %slice3A_59 = vector.extract_strided_slice %add3A {offsets = [0, 2176], sizes = [80, 128], strides = [1, 1]} : vector<80x10000xf32> to vector<80x128xf32>
    %max3A_60 = arith.maximumf %max3A_58, %slice3A_59 : vector<80x128xf32>
    %slice3A_61 = vector.extract_strided_slice %add3A {offsets = [0, 2304], sizes = [80, 128], strides = [1, 1]} : vector<80x10000xf32> to vector<80x128xf32>
    %max3A_62 = arith.maximumf %max3A_60, %slice3A_61 : vector<80x128xf32>
    %slice3A_63 = vector.extract_strided_slice %add3A {offsets = [0, 2432], sizes = [80, 128], strides = [1, 1]} : vector<80x10000xf32> to vector<80x128xf32>
    %max3A_64 = arith.maximumf %max3A_62, %slice3A_63 : vector<80x128xf32>
    %slice3A_65 = vector.extract_strided_slice %add3A {offsets = [0, 2560], sizes = [80, 128], strides = [1, 1]} : vector<80x10000xf32> to vector<80x128xf32>
    %max3A_66 = arith.maximumf %max3A_64, %slice3A_65 : vector<80x128xf32>
    %slice3A_67 = vector.extract_strided_slice %add3A {offsets = [0, 2688], sizes = [80, 128], strides = [1, 1]} : vector<80x10000xf32> to vector<80x128xf32>
    %max3A_68 = arith.maximumf %max3A_66, %slice3A_67 : vector<80x128xf32>
    %slice3A_69 = vector.extract_strided_slice %add3A {offsets = [0, 2816], sizes = [80, 128], strides = [1, 1]} : vector<80x10000xf32> to vector<80x128xf32>
    %max3A_70 = arith.maximumf %max3A_68, %slice3A_69 : vector<80x128xf32>
    %slice3A_71 = vector.extract_strided_slice %add3A {offsets = [0, 2944], sizes = [80, 128], strides = [1, 1]} : vector<80x10000xf32> to vector<80x128xf32>
    %max3A_72 = arith.maximumf %max3A_70, %slice3A_71 : vector<80x128xf32>
    %slice3A_73 = vector.extract_strided_slice %add3A {offsets = [0, 3072], sizes = [80, 128], strides = [1, 1]} : vector<80x10000xf32> to vector<80x128xf32>
    %max3A_74 = arith.maximumf %max3A_72, %slice3A_73 : vector<80x128xf32>
    %slice3A_75 = vector.extract_strided_slice %add3A {offsets = [0, 3200], sizes = [80, 128], strides = [1, 1]} : vector<80x10000xf32> to vector<80x128xf32>
    %max3A_76 = arith.maximumf %max3A_74, %slice3A_75 : vector<80x128xf32>
    %slice3A_77 = vector.extract_strided_slice %add3A {offsets = [0, 3328], sizes = [80, 128], strides = [1, 1]} : vector<80x10000xf32> to vector<80x128xf32>
    %max3A_78 = arith.maximumf %max3A_76, %slice3A_77 : vector<80x128xf32>
    %slice3A_79 = vector.extract_strided_slice %add3A {offsets = [0, 3456], sizes = [80, 128], strides = [1, 1]} : vector<80x10000xf32> to vector<80x128xf32>
    %max3A_80 = arith.maximumf %max3A_78, %slice3A_79 : vector<80x128xf32>
    %slice3A_81 = vector.extract_strided_slice %add3A {offsets = [0, 3584], sizes = [80, 128], strides = [1, 1]} : vector<80x10000xf32> to vector<80x128xf32>
    %max3A_82 = arith.maximumf %max3A_80, %slice3A_81 : vector<80x128xf32>
    %slice3A_83 = vector.extract_strided_slice %add3A {offsets = [0, 3712], sizes = [80, 128], strides = [1, 1]} : vector<80x10000xf32> to vector<80x128xf32>
    %max3A_84 = arith.maximumf %max3A_82, %slice3A_83 : vector<80x128xf32>
    %slice3A_85 = vector.extract_strided_slice %add3A {offsets = [0, 3840], sizes = [80, 128], strides = [1, 1]} : vector<80x10000xf32> to vector<80x128xf32>
    %max3A_86 = arith.maximumf %max3A_84, %slice3A_85 : vector<80x128xf32>
    %slice3A_87 = vector.extract_strided_slice %add3A {offsets = [0, 3968], sizes = [80, 128], strides = [1, 1]} : vector<80x10000xf32> to vector<80x128xf32>
    %max3A_88 = arith.maximumf %max3A_86, %slice3A_87 : vector<80x128xf32>
    %slice3A_89 = vector.extract_strided_slice %add3A {offsets = [0, 4096], sizes = [80, 128], strides = [1, 1]} : vector<80x10000xf32> to vector<80x128xf32>
    %max3A_90 = arith.maximumf %max3A_88, %slice3A_89 : vector<80x128xf32>
    %slice3A_91 = vector.extract_strided_slice %add3A {offsets = [0, 4224], sizes = [80, 128], strides = [1, 1]} : vector<80x10000xf32> to vector<80x128xf32>
    %max3A_92 = arith.maximumf %max3A_90, %slice3A_91 : vector<80x128xf32>
    %slice3A_93 = vector.extract_strided_slice %add3A {offsets = [0, 4352], sizes = [80, 128], strides = [1, 1]} : vector<80x10000xf32> to vector<80x128xf32>
    %max3A_94 = arith.maximumf %max3A_92, %slice3A_93 : vector<80x128xf32>
    %slice3A_95 = vector.extract_strided_slice %add3A {offsets = [0, 4480], sizes = [80, 128], strides = [1, 1]} : vector<80x10000xf32> to vector<80x128xf32>
    %max3A_96 = arith.maximumf %max3A_94, %slice3A_95 : vector<80x128xf32>
    %slice3A_97 = vector.extract_strided_slice %add3A {offsets = [0, 4608], sizes = [80, 128], strides = [1, 1]} : vector<80x10000xf32> to vector<80x128xf32>
    %max3A_98 = arith.maximumf %max3A_96, %slice3A_97 : vector<80x128xf32>
    %slice3A_99 = vector.extract_strided_slice %add3A {offsets = [0, 4736], sizes = [80, 128], strides = [1, 1]} : vector<80x10000xf32> to vector<80x128xf32>
    %max3A_100 = arith.maximumf %max3A_98, %slice3A_99 : vector<80x128xf32>
    %slice3A_101 = vector.extract_strided_slice %add3A {offsets = [0, 4864], sizes = [80, 128], strides = [1, 1]} : vector<80x10000xf32> to vector<80x128xf32>
    %max3A_102 = arith.maximumf %max3A_100, %slice3A_101 : vector<80x128xf32>
    %slice3A_103 = vector.extract_strided_slice %add3A {offsets = [0, 4992], sizes = [80, 128], strides = [1, 1]} : vector<80x10000xf32> to vector<80x128xf32>
    %max3A_104 = arith.maximumf %max3A_102, %slice3A_103 : vector<80x128xf32>
    %slice3A_105 = vector.extract_strided_slice %add3A {offsets = [0, 5120], sizes = [80, 128], strides = [1, 1]} : vector<80x10000xf32> to vector<80x128xf32>
    %max3A_106 = arith.maximumf %max3A_104, %slice3A_105 : vector<80x128xf32>
    %slice3A_107 = vector.extract_strided_slice %add3A {offsets = [0, 5248], sizes = [80, 128], strides = [1, 1]} : vector<80x10000xf32> to vector<80x128xf32>
    %max3A_108 = arith.maximumf %max3A_106, %slice3A_107 : vector<80x128xf32>
    %slice3A_109 = vector.extract_strided_slice %add3A {offsets = [0, 5376], sizes = [80, 128], strides = [1, 1]} : vector<80x10000xf32> to vector<80x128xf32>
    %max3A_110 = arith.maximumf %max3A_108, %slice3A_109 : vector<80x128xf32>
    %slice3A_111 = vector.extract_strided_slice %add3A {offsets = [0, 5504], sizes = [80, 128], strides = [1, 1]} : vector<80x10000xf32> to vector<80x128xf32>
    %max3A_112 = arith.maximumf %max3A_110, %slice3A_111 : vector<80x128xf32>
    %slice3A_113 = vector.extract_strided_slice %add3A {offsets = [0, 5632], sizes = [80, 128], strides = [1, 1]} : vector<80x10000xf32> to vector<80x128xf32>
    %max3A_114 = arith.maximumf %max3A_112, %slice3A_113 : vector<80x128xf32>
    %slice3A_115 = vector.extract_strided_slice %add3A {offsets = [0, 5760], sizes = [80, 128], strides = [1, 1]} : vector<80x10000xf32> to vector<80x128xf32>
    %max3A_116 = arith.maximumf %max3A_114, %slice3A_115 : vector<80x128xf32>
    %slice3A_117 = vector.extract_strided_slice %add3A {offsets = [0, 5888], sizes = [80, 128], strides = [1, 1]} : vector<80x10000xf32> to vector<80x128xf32>
    %max3A_118 = arith.maximumf %max3A_116, %slice3A_117 : vector<80x128xf32>
    %slice3A_119 = vector.extract_strided_slice %add3A {offsets = [0, 6016], sizes = [80, 128], strides = [1, 1]} : vector<80x10000xf32> to vector<80x128xf32>
    %max3A_120 = arith.maximumf %max3A_118, %slice3A_119 : vector<80x128xf32>
    %slice3A_121 = vector.extract_strided_slice %add3A {offsets = [0, 6144], sizes = [80, 128], strides = [1, 1]} : vector<80x10000xf32> to vector<80x128xf32>
    %max3A_122 = arith.maximumf %max3A_120, %slice3A_121 : vector<80x128xf32>
    %slice3A_123 = vector.extract_strided_slice %add3A {offsets = [0, 6272], sizes = [80, 128], strides = [1, 1]} : vector<80x10000xf32> to vector<80x128xf32>
    %max3A_124 = arith.maximumf %max3A_122, %slice3A_123 : vector<80x128xf32>
    %slice3A_125 = vector.extract_strided_slice %add3A {offsets = [0, 6400], sizes = [80, 128], strides = [1, 1]} : vector<80x10000xf32> to vector<80x128xf32>
    %max3A_126 = arith.maximumf %max3A_124, %slice3A_125 : vector<80x128xf32>
    %slice3A_127 = vector.extract_strided_slice %add3A {offsets = [0, 6528], sizes = [80, 128], strides = [1, 1]} : vector<80x10000xf32> to vector<80x128xf32>
    %max3A_128 = arith.maximumf %max3A_126, %slice3A_127 : vector<80x128xf32>
    %slice3A_129 = vector.extract_strided_slice %add3A {offsets = [0, 6656], sizes = [80, 128], strides = [1, 1]} : vector<80x10000xf32> to vector<80x128xf32>
    %max3A_130 = arith.maximumf %max3A_128, %slice3A_129 : vector<80x128xf32>
    %slice3A_131 = vector.extract_strided_slice %add3A {offsets = [0, 6784], sizes = [80, 128], strides = [1, 1]} : vector<80x10000xf32> to vector<80x128xf32>
    %max3A_132 = arith.maximumf %max3A_130, %slice3A_131 : vector<80x128xf32>
    %slice3A_133 = vector.extract_strided_slice %add3A {offsets = [0, 6912], sizes = [80, 128], strides = [1, 1]} : vector<80x10000xf32> to vector<80x128xf32>
    %max3A_134 = arith.maximumf %max3A_132, %slice3A_133 : vector<80x128xf32>
    %slice3A_135 = vector.extract_strided_slice %add3A {offsets = [0, 7040], sizes = [80, 128], strides = [1, 1]} : vector<80x10000xf32> to vector<80x128xf32>
    %max3A_136 = arith.maximumf %max3A_134, %slice3A_135 : vector<80x128xf32>
    %slice3A_137 = vector.extract_strided_slice %add3A {offsets = [0, 7168], sizes = [80, 128], strides = [1, 1]} : vector<80x10000xf32> to vector<80x128xf32>
    %max3A_138 = arith.maximumf %max3A_136, %slice3A_137 : vector<80x128xf32>
    %slice3A_139 = vector.extract_strided_slice %add3A {offsets = [0, 7296], sizes = [80, 128], strides = [1, 1]} : vector<80x10000xf32> to vector<80x128xf32>
    %max3A_140 = arith.maximumf %max3A_138, %slice3A_139 : vector<80x128xf32>
    %slice3A_141 = vector.extract_strided_slice %add3A {offsets = [0, 7424], sizes = [80, 128], strides = [1, 1]} : vector<80x10000xf32> to vector<80x128xf32>
    %max3A_142 = arith.maximumf %max3A_140, %slice3A_141 : vector<80x128xf32>
    %slice3A_143 = vector.extract_strided_slice %add3A {offsets = [0, 7552], sizes = [80, 128], strides = [1, 1]} : vector<80x10000xf32> to vector<80x128xf32>
    %max3A_144 = arith.maximumf %max3A_142, %slice3A_143 : vector<80x128xf32>
    %slice3A_145 = vector.extract_strided_slice %add3A {offsets = [0, 7680], sizes = [80, 128], strides = [1, 1]} : vector<80x10000xf32> to vector<80x128xf32>
    %max3A_146 = arith.maximumf %max3A_144, %slice3A_145 : vector<80x128xf32>
    %slice3A_147 = vector.extract_strided_slice %add3A {offsets = [0, 7808], sizes = [80, 128], strides = [1, 1]} : vector<80x10000xf32> to vector<80x128xf32>
    %max3A_148 = arith.maximumf %max3A_146, %slice3A_147 : vector<80x128xf32>
    %slice3A_149 = vector.extract_strided_slice %add3A {offsets = [0, 7936], sizes = [80, 128], strides = [1, 1]} : vector<80x10000xf32> to vector<80x128xf32>
    %max3A_150 = arith.maximumf %max3A_148, %slice3A_149 : vector<80x128xf32>
    %slice3A_151 = vector.extract_strided_slice %add3A {offsets = [0, 8064], sizes = [80, 128], strides = [1, 1]} : vector<80x10000xf32> to vector<80x128xf32>
    %max3A_152 = arith.maximumf %max3A_150, %slice3A_151 : vector<80x128xf32>
    %slice3A_153 = vector.extract_strided_slice %add3A {offsets = [0, 8192], sizes = [80, 128], strides = [1, 1]} : vector<80x10000xf32> to vector<80x128xf32>
    %max3A_154 = arith.maximumf %max3A_152, %slice3A_153 : vector<80x128xf32>
    %slice3A_155 = vector.extract_strided_slice %add3A {offsets = [0, 8320], sizes = [80, 128], strides = [1, 1]} : vector<80x10000xf32> to vector<80x128xf32>
    %max3A_156 = arith.maximumf %max3A_154, %slice3A_155 : vector<80x128xf32>
    %slice3A_157 = vector.extract_strided_slice %add3A {offsets = [0, 8448], sizes = [80, 128], strides = [1, 1]} : vector<80x10000xf32> to vector<80x128xf32>
    %max3A_158 = arith.maximumf %max3A_156, %slice3A_157 : vector<80x128xf32>
    %slice3A_159 = vector.extract_strided_slice %add3A {offsets = [0, 8576], sizes = [80, 128], strides = [1, 1]} : vector<80x10000xf32> to vector<80x128xf32>
    %max3A_160 = arith.maximumf %max3A_158, %slice3A_159 : vector<80x128xf32>
    %slice3A_161 = vector.extract_strided_slice %add3A {offsets = [0, 8704], sizes = [80, 128], strides = [1, 1]} : vector<80x10000xf32> to vector<80x128xf32>
    %max3A_162 = arith.maximumf %max3A_160, %slice3A_161 : vector<80x128xf32>
    %slice3A_163 = vector.extract_strided_slice %add3A {offsets = [0, 8832], sizes = [80, 128], strides = [1, 1]} : vector<80x10000xf32> to vector<80x128xf32>
    %max3A_164 = arith.maximumf %max3A_162, %slice3A_163 : vector<80x128xf32>
    %slice3A_165 = vector.extract_strided_slice %add3A {offsets = [0, 8960], sizes = [80, 128], strides = [1, 1]} : vector<80x10000xf32> to vector<80x128xf32>
    %max3A_166 = arith.maximumf %max3A_164, %slice3A_165 : vector<80x128xf32>
    %slice3A_167 = vector.extract_strided_slice %add3A {offsets = [0, 9088], sizes = [80, 128], strides = [1, 1]} : vector<80x10000xf32> to vector<80x128xf32>
    %max3A_168 = arith.maximumf %max3A_166, %slice3A_167 : vector<80x128xf32>
    %slice3A_169 = vector.extract_strided_slice %add3A {offsets = [0, 9216], sizes = [80, 128], strides = [1, 1]} : vector<80x10000xf32> to vector<80x128xf32>
    %max3A_170 = arith.maximumf %max3A_168, %slice3A_169 : vector<80x128xf32>
    %slice3A_171 = vector.extract_strided_slice %add3A {offsets = [0, 9344], sizes = [80, 128], strides = [1, 1]} : vector<80x10000xf32> to vector<80x128xf32>
    %max3A_172 = arith.maximumf %max3A_170, %slice3A_171 : vector<80x128xf32>
    %slice3A_173 = vector.extract_strided_slice %add3A {offsets = [0, 9472], sizes = [80, 128], strides = [1, 1]} : vector<80x10000xf32> to vector<80x128xf32>
    %max3A_174 = arith.maximumf %max3A_172, %slice3A_173 : vector<80x128xf32>
    %slice3A_175 = vector.extract_strided_slice %add3A {offsets = [0, 9600], sizes = [80, 128], strides = [1, 1]} : vector<80x10000xf32> to vector<80x128xf32>
    %max3A_176 = arith.maximumf %max3A_174, %slice3A_175 : vector<80x128xf32>
    %slice3A_177 = vector.extract_strided_slice %add3A {offsets = [0, 9728], sizes = [80, 128], strides = [1, 1]} : vector<80x10000xf32> to vector<80x128xf32>
    %max3A_178 = arith.maximumf %max3A_176, %slice3A_177 : vector<80x128xf32>
    %slice3A_179 = vector.extract_strided_slice %add3A {offsets = [0, 9856], sizes = [80, 128], strides = [1, 1]} : vector<80x10000xf32> to vector<80x128xf32>
    %max3A_180 = arith.maximumf %max3A_178, %slice3A_179 : vector<80x128xf32>
    %iota3A = tpu.iota {dimensions = array<i32: 1>} : vector<80x128xi32>
    %ge3A = arith.constant 112 : i32
    %ge3A_181 = vector.broadcast %ge3A : i32 to vector<80x128xi32>
    %ge3A_182 = arith.cmpi sge, %iota3A, %ge3A_181 : vector<80x128xi32>
    %slice3A_183 = vector.extract_strided_slice %add3A {offsets = [0, 9872], sizes = [80, 128], strides = [1, 1]} : vector<80x10000xf32> to vector<80x128xf32>
    %jit3A = arith.constant 0.000000e+00 : f32
    %broadcast_in_dim3A = vector.broadcast %jit3A : f32 to vector<80x128xf32>
    %select_n3A = arith.select %ge3A_182, %slice3A_183, %broadcast_in_dim3A : vector<80x128xi1>, vector<80x128xf32>
    %max3A_184 = arith.maximumf %max3A_180, %select_n3A : vector<80x128xf32>
    %reduce_max3A = arith.constant dense<0xFF800000> : vector<80xf32>
    %reduce_max3A_185 = vector.multi_reduction <maximumf>, %max3A_184, %reduce_max3A [1] : vector<80x128xf32> to vector<80xf32>
    %broadcast_in_dim3A_186 = vector.shape_cast %reduce_max3A_185 : vector<80xf32> to vector<80x1xf32>
    %eq3A_187 = vector.broadcast %broadcast_in_dim3A_186 : vector<80x1xf32> to vector<80x128xf32>
    %eq3A_188 = arith.cmpf oeq, %max3A_184, %eq3A_187 : vector<80x128xf32>
    %jit3A_189 = arith.constant -1.000000e+00 : f32
    %broadcast_in_dim3A_190 = vector.broadcast %jit3A_189 : f32 to vector<80x128xf32>
    %select_n3A_191 = arith.select %eq3A_188, %broadcast_in_dim3A_190, %max3A_184 : vector<80x128xi1>, vector<80x128xf32>
    %reduce_max3A_192 = arith.constant dense<0xFF800000> : vector<80xf32>
    %reduce_max3A_193 = vector.multi_reduction <maximumf>, %select_n3A_191, %reduce_max3A_192 [1] : vector<80x128xf32> to vector<80xf32>
    %broadcast_in_dim3A_194 = vector.shape_cast %reduce_max3A_193 : vector<80xf32> to vector<80x1xf32>
    %eq3A_195 = vector.broadcast %broadcast_in_dim3A_194 : vector<80x1xf32> to vector<80x128xf32>
    %eq3A_196 = arith.cmpf oeq, %select_n3A_191, %eq3A_195 : vector<80x128xf32>
    %jit3A_197 = arith.constant -1.000000e+00 : f32
    %broadcast_in_dim3A_198 = vector.broadcast %jit3A_197 : f32 to vector<80x128xf32>
    %select_n3A_199 = arith.select %eq3A_196, %broadcast_in_dim3A_198, %select_n3A_191 : vector<80x128xi1>, vector<80x128xf32>
    %reduce_max3A_200 = arith.constant dense<0xFF800000> : vector<80xf32>
    %reduce_max3A_201 = vector.multi_reduction <maximumf>, %select_n3A_199, %reduce_max3A_200 [1] : vector<80x128xf32> to vector<80xf32>
    %broadcast_in_dim3A_202 = vector.shape_cast %reduce_max3A_201 : vector<80xf32> to vector<80x1xf32>
    %eq3A_203 = vector.broadcast %broadcast_in_dim3A_202 : vector<80x1xf32> to vector<80x128xf32>
    %eq3A_204 = arith.cmpf oeq, %select_n3A_199, %eq3A_203 : vector<80x128xf32>
    %jit3A_205 = arith.constant -1.000000e+00 : f32
    %broadcast_in_dim3A_206 = vector.broadcast %jit3A_205 : f32 to vector<80x128xf32>
    %select_n3A_207 = arith.select %eq3A_204, %broadcast_in_dim3A_206, %select_n3A_199 : vector<80x128xi1>, vector<80x128xf32>
    %reduce_max3A_208 = arith.constant dense<0xFF800000> : vector<80xf32>
    %reduce_max3A_209 = vector.multi_reduction <maximumf>, %select_n3A_207, %reduce_max3A_208 [1] : vector<80x128xf32> to vector<80xf32>
    %broadcast_in_dim3A_210 = vector.shape_cast %reduce_max3A_209 : vector<80xf32> to vector<80x1xf32>
    %eq3A_211 = vector.broadcast %broadcast_in_dim3A_210 : vector<80x1xf32> to vector<80x128xf32>
    %eq3A_212 = arith.cmpf oeq, %select_n3A_207, %eq3A_211 : vector<80x128xf32>
    %jit3A_213 = arith.constant -1.000000e+00 : f32
    %broadcast_in_dim3A_214 = vector.broadcast %jit3A_213 : f32 to vector<80x128xf32>
    %select_n3A_215 = arith.select %eq3A_212, %broadcast_in_dim3A_214, %select_n3A_207 : vector<80x128xi1>, vector<80x128xf32>
    %reduce_max3A_216 = arith.constant dense<0xFF800000> : vector<80xf32>
    %reduce_max3A_217 = vector.multi_reduction <maximumf>, %select_n3A_215, %reduce_max3A_216 [1] : vector<80x128xf32> to vector<80xf32>
    %broadcast_in_dim3A_218 = vector.shape_cast %reduce_max3A_217 : vector<80xf32> to vector<80x1xf32>
    %eq3A_219 = vector.broadcast %broadcast_in_dim3A_218 : vector<80x1xf32> to vector<80x128xf32>
    %eq3A_220 = arith.cmpf oeq, %select_n3A_215, %eq3A_219 : vector<80x128xf32>
    %jit3A_221 = arith.constant -1.000000e+00 : f32
    %broadcast_in_dim3A_222 = vector.broadcast %jit3A_221 : f32 to vector<80x128xf32>
    %select_n3A_223 = arith.select %eq3A_220, %broadcast_in_dim3A_222, %select_n3A_215 : vector<80x128xi1>, vector<80x128xf32>
    %reduce_max3A_224 = arith.constant dense<0xFF800000> : vector<80xf32>
    %reduce_max3A_225 = vector.multi_reduction <maximumf>, %select_n3A_223, %reduce_max3A_224 [1] : vector<80x128xf32> to vector<80xf32>
    %broadcast_in_dim3A_226 = vector.shape_cast %reduce_max3A_225 : vector<80xf32> to vector<80x1xf32>
    %eq3A_227 = vector.broadcast %broadcast_in_dim3A_226 : vector<80x1xf32> to vector<80x128xf32>
    %eq3A_228 = arith.cmpf oeq, %select_n3A_223, %eq3A_227 : vector<80x128xf32>
    %jit3A_229 = arith.constant -1.000000e+00 : f32
    %broadcast_in_dim3A_230 = vector.broadcast %jit3A_229 : f32 to vector<80x128xf32>
    %select_n3A_231 = arith.select %eq3A_228, %broadcast_in_dim3A_230, %select_n3A_223 : vector<80x128xi1>, vector<80x128xf32>
    %reduce_max3A_232 = arith.constant dense<0xFF800000> : vector<80xf32>
    %reduce_max3A_233 = vector.multi_reduction <maximumf>, %select_n3A_231, %reduce_max3A_232 [1] : vector<80x128xf32> to vector<80xf32>
    %broadcast_in_dim3A_234 = vector.shape_cast %reduce_max3A_233 : vector<80xf32> to vector<80x1xf32>
    %eq3A_235 = vector.broadcast %broadcast_in_dim3A_234 : vector<80x1xf32> to vector<80x128xf32>
    %eq3A_236 = arith.cmpf oeq, %select_n3A_231, %eq3A_235 : vector<80x128xf32>
    %jit3A_237 = arith.constant -1.000000e+00 : f32
    %broadcast_in_dim3A_238 = vector.broadcast %jit3A_237 : f32 to vector<80x128xf32>
    %select_n3A_239 = arith.select %eq3A_236, %broadcast_in_dim3A_238, %select_n3A_231 : vector<80x128xi1>, vector<80x128xf32>
    %reduce_max3A_240 = arith.constant dense<0xFF800000> : vector<80xf32>
    %reduce_max3A_241 = vector.multi_reduction <maximumf>, %select_n3A_239, %reduce_max3A_240 [1] : vector<80x128xf32> to vector<80xf32>
    %broadcast_in_dim3A_242 = vector.shape_cast %reduce_max3A_241 : vector<80xf32> to vector<80x1xf32>
    %eq3A_243 = vector.broadcast %broadcast_in_dim3A_242 : vector<80x1xf32> to vector<80x128xf32>
    %eq3A_244 = arith.cmpf oeq, %select_n3A_239, %eq3A_243 : vector<80x128xf32>
    %jit3A_245 = arith.constant -1.000000e+00 : f32
    %broadcast_in_dim3A_246 = vector.broadcast %jit3A_245 : f32 to vector<80x128xf32>
    %select_n3A_247 = arith.select %eq3A_244, %broadcast_in_dim3A_246, %select_n3A_239 : vector<80x128xi1>, vector<80x128xf32>
    %reduce_max3A_248 = arith.constant dense<0xFF800000> : vector<80xf32>
    %reduce_max3A_249 = vector.multi_reduction <maximumf>, %select_n3A_247, %reduce_max3A_248 [1] : vector<80x128xf32> to vector<80xf32>
    %broadcast_in_dim3A_250 = vector.shape_cast %reduce_max3A_249 : vector<80xf32> to vector<80x1xf32>
    %eq3A_251 = vector.broadcast %broadcast_in_dim3A_250 : vector<80x1xf32> to vector<80x128xf32>
    %eq3A_252 = arith.cmpf oeq, %select_n3A_247, %eq3A_251 : vector<80x128xf32>
    %jit3A_253 = arith.constant -1.000000e+00 : f32
    %broadcast_in_dim3A_254 = vector.broadcast %jit3A_253 : f32 to vector<80x128xf32>
    %select_n3A_255 = arith.select %eq3A_252, %broadcast_in_dim3A_254, %select_n3A_247 : vector<80x128xi1>, vector<80x128xf32>
    %reduce_max3A_256 = arith.constant dense<0xFF800000> : vector<80xf32>
    %reduce_max3A_257 = vector.multi_reduction <maximumf>, %select_n3A_255, %reduce_max3A_256 [1] : vector<80x128xf32> to vector<80xf32>
    %broadcast_in_dim3A_258 = vector.shape_cast %reduce_max3A_257 : vector<80xf32> to vector<80x1xf32>
    %eq3A_259 = vector.broadcast %broadcast_in_dim3A_258 : vector<80x1xf32> to vector<80x128xf32>
    %eq3A_260 = arith.cmpf oeq, %select_n3A_255, %eq3A_259 : vector<80x128xf32>
    %jit3A_261 = arith.constant -1.000000e+00 : f32
    %broadcast_in_dim3A_262 = vector.broadcast %jit3A_261 : f32 to vector<80x128xf32>
    %select_n3A_263 = arith.select %eq3A_260, %broadcast_in_dim3A_262, %select_n3A_255 : vector<80x128xi1>, vector<80x128xf32>
    %reduce_max3A_264 = arith.constant dense<0xFF800000> : vector<80xf32>
    %reduce_max3A_265 = vector.multi_reduction <maximumf>, %select_n3A_263, %reduce_max3A_264 [1] : vector<80x128xf32> to vector<80xf32>
    %broadcast_in_dim3A_266 = vector.shape_cast %reduce_max3A_265 : vector<80xf32> to vector<80x1xf32>
    %eq3A_267 = vector.broadcast %broadcast_in_dim3A_266 : vector<80x1xf32> to vector<80x128xf32>
    %eq3A_268 = arith.cmpf oeq, %select_n3A_263, %eq3A_267 : vector<80x128xf32>
    %jit3A_269 = arith.constant -1.000000e+00 : f32
    %broadcast_in_dim3A_270 = vector.broadcast %jit3A_269 : f32 to vector<80x128xf32>
    %select_n3A_271 = arith.select %eq3A_268, %broadcast_in_dim3A_270, %select_n3A_263 : vector<80x128xi1>, vector<80x128xf32>
    %reduce_max3A_272 = arith.constant dense<0xFF800000> : vector<80xf32>
    %reduce_max3A_273 = vector.multi_reduction <maximumf>, %select_n3A_271, %reduce_max3A_272 [1] : vector<80x128xf32> to vector<80xf32>
    %broadcast_in_dim3A_274 = vector.shape_cast %reduce_max3A_273 : vector<80xf32> to vector<80x1xf32>
    %eq3A_275 = vector.broadcast %broadcast_in_dim3A_274 : vector<80x1xf32> to vector<80x128xf32>
    %eq3A_276 = arith.cmpf oeq, %select_n3A_271, %eq3A_275 : vector<80x128xf32>
    %jit3A_277 = arith.constant -1.000000e+00 : f32
    %broadcast_in_dim3A_278 = vector.broadcast %jit3A_277 : f32 to vector<80x128xf32>
    %select_n3A_279 = arith.select %eq3A_276, %broadcast_in_dim3A_278, %select_n3A_271 : vector<80x128xi1>, vector<80x128xf32>
    %reduce_max3A_280 = arith.constant dense<0xFF800000> : vector<80xf32>
    %reduce_max3A_281 = vector.multi_reduction <maximumf>, %select_n3A_279, %reduce_max3A_280 [1] : vector<80x128xf32> to vector<80xf32>
    %broadcast_in_dim3A_282 = vector.shape_cast %reduce_max3A_281 : vector<80xf32> to vector<80x1xf32>
    %eq3A_283 = vector.broadcast %broadcast_in_dim3A_282 : vector<80x1xf32> to vector<80x128xf32>
    %eq3A_284 = arith.cmpf oeq, %select_n3A_279, %eq3A_283 : vector<80x128xf32>
    %jit3A_285 = arith.constant -1.000000e+00 : f32
    %broadcast_in_dim3A_286 = vector.broadcast %jit3A_285 : f32 to vector<80x128xf32>
    %select_n3A_287 = arith.select %eq3A_284, %broadcast_in_dim3A_286, %select_n3A_279 : vector<80x128xi1>, vector<80x128xf32>
    %reduce_max3A_288 = arith.constant dense<0xFF800000> : vector<80xf32>
    %reduce_max3A_289 = vector.multi_reduction <maximumf>, %select_n3A_287, %reduce_max3A_288 [1] : vector<80x128xf32> to vector<80xf32>
    %broadcast_in_dim3A_290 = vector.shape_cast %reduce_max3A_289 : vector<80xf32> to vector<80x1xf32>
    %eq3A_291 = vector.broadcast %broadcast_in_dim3A_290 : vector<80x1xf32> to vector<80x128xf32>
    %eq3A_292 = arith.cmpf oeq, %select_n3A_287, %eq3A_291 : vector<80x128xf32>
    %jit3A_293 = arith.constant -1.000000e+00 : f32
    %broadcast_in_dim3A_294 = vector.broadcast %jit3A_293 : f32 to vector<80x128xf32>
    %select_n3A_295 = arith.select %eq3A_292, %broadcast_in_dim3A_294, %select_n3A_287 : vector<80x128xi1>, vector<80x128xf32>
    %reduce_max3A_296 = arith.constant dense<0xFF800000> : vector<80xf32>
    %reduce_max3A_297 = vector.multi_reduction <maximumf>, %select_n3A_295, %reduce_max3A_296 [1] : vector<80x128xf32> to vector<80xf32>
    %broadcast_in_dim3A_298 = vector.shape_cast %reduce_max3A_297 : vector<80xf32> to vector<80x1xf32>
    %eq3A_299 = vector.broadcast %broadcast_in_dim3A_298 : vector<80x1xf32> to vector<80x128xf32>
    %eq3A_300 = arith.cmpf oeq, %select_n3A_295, %eq3A_299 : vector<80x128xf32>
    %jit3A_301 = arith.constant -1.000000e+00 : f32
    %broadcast_in_dim3A_302 = vector.broadcast %jit3A_301 : f32 to vector<80x128xf32>
    %select_n3A_303 = arith.select %eq3A_300, %broadcast_in_dim3A_302, %select_n3A_295 : vector<80x128xi1>, vector<80x128xf32>
    %reduce_max3A_304 = arith.constant dense<0xFF800000> : vector<80xf32>
    %reduce_max3A_305 = vector.multi_reduction <maximumf>, %select_n3A_303, %reduce_max3A_304 [1] : vector<80x128xf32> to vector<80xf32>
    %broadcast_in_dim3A_306 = vector.shape_cast %reduce_max3A_305 : vector<80xf32> to vector<80x1xf32>
    %eq3A_307 = vector.broadcast %broadcast_in_dim3A_306 : vector<80x1xf32> to vector<80x128xf32>
    %eq3A_308 = arith.cmpf oeq, %select_n3A_303, %eq3A_307 : vector<80x128xf32>
    %jit3A_309 = arith.constant -1.000000e+00 : f32
    %broadcast_in_dim3A_310 = vector.broadcast %jit3A_309 : f32 to vector<80x128xf32>
    %select_n3A_311 = arith.select %eq3A_308, %broadcast_in_dim3A_310, %select_n3A_303 : vector<80x128xi1>, vector<80x128xf32>
    %reduce_max3A_312 = arith.constant dense<0xFF800000> : vector<80xf32>
    %reduce_max3A_313 = vector.multi_reduction <maximumf>, %select_n3A_311, %reduce_max3A_312 [1] : vector<80x128xf32> to vector<80xf32>
    %broadcast_in_dim3A_314 = vector.shape_cast %reduce_max3A_313 : vector<80xf32> to vector<80x1xf32>
    %eq3A_315 = vector.broadcast %broadcast_in_dim3A_314 : vector<80x1xf32> to vector<80x128xf32>
    %eq3A_316 = arith.cmpf oeq, %select_n3A_311, %eq3A_315 : vector<80x128xf32>
    %jit3A_317 = arith.constant -1.000000e+00 : f32
    %broadcast_in_dim3A_318 = vector.broadcast %jit3A_317 : f32 to vector<80x128xf32>
    %select_n3A_319 = arith.select %eq3A_316, %broadcast_in_dim3A_318, %select_n3A_311 : vector<80x128xi1>, vector<80x128xf32>
    %reduce_max3A_320 = arith.constant dense<0xFF800000> : vector<80xf32>
    %reduce_max3A_321 = vector.multi_reduction <maximumf>, %select_n3A_319, %reduce_max3A_320 [1] : vector<80x128xf32> to vector<80xf32>
    %broadcast_in_dim3A_322 = vector.shape_cast %reduce_max3A_321 : vector<80xf32> to vector<80x1xf32>
    %eq3A_323 = vector.broadcast %broadcast_in_dim3A_322 : vector<80x1xf32> to vector<80x128xf32>
    %eq3A_324 = arith.cmpf oeq, %select_n3A_319, %eq3A_323 : vector<80x128xf32>
    %jit3A_325 = arith.constant -1.000000e+00 : f32
    %broadcast_in_dim3A_326 = vector.broadcast %jit3A_325 : f32 to vector<80x128xf32>
    %select_n3A_327 = arith.select %eq3A_324, %broadcast_in_dim3A_326, %select_n3A_319 : vector<80x128xi1>, vector<80x128xf32>
    %reduce_max3A_328 = arith.constant dense<0xFF800000> : vector<80xf32>
    %reduce_max3A_329 = vector.multi_reduction <maximumf>, %select_n3A_327, %reduce_max3A_328 [1] : vector<80x128xf32> to vector<80xf32>
    %broadcast_in_dim3A_330 = vector.shape_cast %reduce_max3A_329 : vector<80xf32> to vector<80x1xf32>
    %eq3A_331 = vector.broadcast %broadcast_in_dim3A_330 : vector<80x1xf32> to vector<80x128xf32>
    %eq3A_332 = arith.cmpf oeq, %select_n3A_327, %eq3A_331 : vector<80x128xf32>
    %jit3A_333 = arith.constant -1.000000e+00 : f32
    %broadcast_in_dim3A_334 = vector.broadcast %jit3A_333 : f32 to vector<80x128xf32>
    %select_n3A_335 = arith.select %eq3A_332, %broadcast_in_dim3A_334, %select_n3A_327 : vector<80x128xi1>, vector<80x128xf32>
    %reduce_max3A_336 = arith.constant dense<0xFF800000> : vector<80xf32>
    %reduce_max3A_337 = vector.multi_reduction <maximumf>, %select_n3A_335, %reduce_max3A_336 [1] : vector<80x128xf32> to vector<80xf32>
    %broadcast_in_dim3A_338 = vector.shape_cast %reduce_max3A_337 : vector<80xf32> to vector<80x1xf32>
    %max3A_339 = arith.constant 0.000000e+00 : f32
    %max3A_340 = vector.broadcast %max3A_339 : f32 to vector<80x1xf32>
    %max3A_341 = arith.maximumf %broadcast_in_dim3A_338, %max3A_340 : vector<80x1xf32>
    %reduce_max3A_342 = arith.constant dense<0xFF800000> : vector<80xf32>
    %reduce_max3A_343 = vector.multi_reduction <maximumf>, %max3A_184, %reduce_max3A_342 [1] : vector<80x128xf32> to vector<80xf32>
    %broadcast_in_dim3A_344 = vector.shape_cast %reduce_max3A_343 : vector<80xf32> to vector<80x1xf32>
    %bitcast_convert_type3A = tpu.bitcast %broadcast_in_dim3A_344 : vector<80x1xf32> -> vector<80x1xi32>
    %add3A_345 = arith.constant 1 : i32
    %add3A_346 = vector.broadcast %add3A_345 : i32 to vector<80x1xi32>
    %add3A_347 = arith.addi %bitcast_convert_type3A, %add3A_346 : vector<80x1xi32>
    %bitcast_convert_type3A_348 = tpu.bitcast %max3A_341 : vector<80x1xf32> -> vector<80x1xi32>
    %while3A:2 = scf.while (%while3A_606 = %bitcast_convert_type3A_348, %while3A_607 = %add3A_347) : (vector<80x1xi32>, vector<80x1xi32>) -> (vector<80x1xi32>, vector<80x1xi32>) {
      %sub3A_608 = arith.subi %while3A_607, %while3A_606 : vector<80x1xi32>
      %reduce_max3A_609 = vector.shape_cast %sub3A_608 : vector<80x1xi32> to vector<1x80x1xi32>
      %reduce_max3A_610 = arith.constant dense<-2147483648> : vector<1xi32>
      %reduce_max3A_611 = vector.multi_reduction <maxsi>, %reduce_max3A_609, %reduce_max3A_610 [1, 2] : vector<1x80x1xi32> to vector<1xi32>
      %reduce_max3A_612 = vector.shape_cast %reduce_max3A_611 : vector<1xi32> to vector<1x1x1xi32>
      %reduce_max3A_613 = vector.extract %reduce_max3A_612[0, 0, 0] : i32 from vector<1x1x1xi32>
      %gt3A_614 = arith.constant 1 : i32
      %gt3A_615 = arith.cmpi sgt, %reduce_max3A_613, %gt3A_614 : i32
      scf.condition(%gt3A_615) %while3A_606, %while3A_607 : vector<80x1xi32>, vector<80x1xi32>
    } do {
    ^bb0(%while3A_606: vector<80x1xi32>, %while3A_607: vector<80x1xi32>):
      %add3A_608 = arith.addi %while3A_606, %while3A_607 : vector<80x1xi32>
      %jit3A_609 = arith.constant 2 : i32
      %div3A = vector.broadcast %jit3A_609 : i32 to vector<80x1xi32>
      %div3A_610 = arith.divsi %add3A_608, %div3A : vector<80x1xi32>
      %sign3A = arith.constant 0 : i32
      %sign3A_611 = vector.broadcast %sign3A : i32 to vector<80x1xi32>
      %sign3A_612 = arith.cmpi sgt, %add3A_608, %sign3A_611 : vector<80x1xi32>
      %sign3A_613 = arith.extui %sign3A_612 : vector<80x1xi1> to vector<80x1xi32>
      %sign3A_614 = arith.constant 0 : i32
      %sign3A_615 = vector.broadcast %sign3A_614 : i32 to vector<80x1xi32>
      %sign3A_616 = arith.cmpi slt, %add3A_608, %sign3A_615 : vector<80x1xi32>
      %sign3A_617 = arith.extui %sign3A_616 : vector<80x1xi1> to vector<80x1xi32>
      %sign3A_618 = arith.subi %sign3A_613, %sign3A_617 : vector<80x1xi32>
      %sign3A_619 = arith.constant 0 : i32
      %sign3A_620 = arith.cmpi sgt, %jit3A_609, %sign3A_619 : i32
      %sign3A_621 = arith.extui %sign3A_620 : i1 to i32
      %sign3A_622 = arith.constant 0 : i32
      %sign3A_623 = arith.cmpi slt, %jit3A_609, %sign3A_622 : i32
      %sign3A_624 = arith.extui %sign3A_623 : i1 to i32
      %sign3A_625 = arith.subi %sign3A_621, %sign3A_624 : i32
      %ne3A = vector.broadcast %sign3A_625 : i32 to vector<80x1xi32>
      %ne3A_626 = arith.cmpi ne, %sign3A_618, %ne3A : vector<80x1xi32>
      %rem3A = vector.broadcast %jit3A_609 : i32 to vector<80x1xi32>
      %rem3A_627 = arith.remsi %add3A_608, %rem3A : vector<80x1xi32>
      %ne3A_628 = arith.constant 0 : i32
      %ne3A_629 = vector.broadcast %ne3A_628 : i32 to vector<80x1xi32>
      %ne3A_630 = arith.cmpi ne, %rem3A_627, %ne3A_629 : vector<80x1xi32>
      %and3A_631 = arith.andi %ne3A_626, %ne3A_630 : vector<80x1xi1>
      %sub3A_632 = arith.constant 1 : i32
      %sub3A_633 = vector.broadcast %sub3A_632 : i32 to vector<80x1xi32>
      %sub3A_634 = arith.subi %div3A_610, %sub3A_633 : vector<80x1xi32>
      %select_n3A_635 = arith.select %and3A_631, %sub3A_634, %div3A_610 : vector<80x1xi1>, vector<80x1xi32>
      %bitcast_convert_type3A_636 = tpu.bitcast %select_n3A_635 : vector<80x1xi32> -> vector<80x1xf32>
      %ge3A_637 = vector.broadcast %bitcast_convert_type3A_636 : vector<80x1xf32> to vector<80x10000xf32>
      %ge3A_638 = arith.cmpf oge, %add3A, %ge3A_637 : vector<80x10000xf32>
      %convert_element_type3A_639 = arith.extui %ge3A_638 : vector<80x10000xi1> to vector<80x10000xi32>
      %convert_element_type3A_640 = arith.sitofp %convert_element_type3A_639 : vector<80x10000xi32> to vector<80x10000xf32>
      %reduce_sum3A_641 = arith.constant dense<0.000000e+00> : vector<80xf32>
      %reduce_sum3A_642 = vector.multi_reduction <add>, %convert_element_type3A_640, %reduce_sum3A_641 [1] : vector<80x10000xf32> to vector<80xf32>
      %broadcast_in_dim3A_643 = vector.shape_cast %reduce_sum3A_642 : vector<80xf32> to vector<80x1xf32>
      %ge3A_644 = arith.constant 2.000000e+01 : f32
      %ge3A_645 = vector.broadcast %ge3A_644 : f32 to vector<80x1xf32>
      %ge3A_646 = arith.cmpf oge, %broadcast_in_dim3A_643, %ge3A_645 : vector<80x1xf32>
      %select_n3A_647 = arith.select %ge3A_646, %select_n3A_635, %while3A_606 : vector<80x1xi1>, vector<80x1xi32>
      %select_n3A_648 = arith.select %ge3A_646, %while3A_607, %select_n3A_635 : vector<80x1xi1>, vector<80x1xi32>
      scf.yield %select_n3A_647, %select_n3A_648 : vector<80x1xi32>, vector<80x1xi32>
    }
    %bitcast_convert_type3A_349 = tpu.bitcast %while3A#0 : vector<80x1xi32> -> vector<80x1xf32>
    %ge3A_350 = vector.broadcast %bitcast_convert_type3A_349 : vector<80x1xf32> to vector<80x10000xf32>
    %ge3A_351 = arith.cmpf oge, %add3A, %ge3A_350 : vector<80x10000xf32>
    %convert_element_type3A_352 = arith.extui %ge3A_351 : vector<80x10000xi1> to vector<80x10000xi32>
    %convert_element_type3A_353 = arith.sitofp %convert_element_type3A_352 : vector<80x10000xi32> to vector<80x10000xf32>
    %reduce_sum3A = arith.constant dense<0.000000e+00> : vector<80xf32>
    %reduce_sum3A_354 = vector.multi_reduction <add>, %convert_element_type3A_353, %reduce_sum3A [1] : vector<80x10000xf32> to vector<80xf32>
    %broadcast_in_dim3A_355 = vector.shape_cast %reduce_sum3A_354 : vector<80xf32> to vector<80x1xf32>
    %gt3A = vector.broadcast %bitcast_convert_type3A_349 : vector<80x1xf32> to vector<80x10000xf32>
    %gt3A_356 = arith.cmpf ogt, %add3A, %gt3A : vector<80x10000xf32>
    %convert_element_type3A_357 = arith.extui %gt3A_356 : vector<80x10000xi1> to vector<80x10000xi32>
    %convert_element_type3A_358 = arith.sitofp %convert_element_type3A_357 : vector<80x10000xi32> to vector<80x10000xf32>
    %reduce_sum3A_359 = arith.constant dense<0.000000e+00> : vector<80xf32>
    %reduce_sum3A_360 = vector.multi_reduction <add>, %convert_element_type3A_358, %reduce_sum3A_359 [1] : vector<80x10000xf32> to vector<80xf32>
    %broadcast_in_dim3A_361 = vector.shape_cast %reduce_sum3A_360 : vector<80xf32> to vector<80x1xf32>
    %sub3A_362 = arith.constant 2.000000e+01 : f32
    %sub3A_363 = vector.broadcast %sub3A_362 : f32 to vector<80x1xf32>
    %sub3A_364 = arith.subf %sub3A_363, %broadcast_in_dim3A_361 : vector<80x1xf32>
    %eq3A_365 = vector.broadcast %bitcast_convert_type3A_349 : vector<80x1xf32> to vector<80x10000xf32>
    %eq3A_366 = arith.cmpf oeq, %add3A, %eq3A_365 : vector<80x10000xf32>
    %iota3A_367 = tpu.iota {dimensions = array<i32: 1>} : vector<80x10000xi32>
    %broadcast_in_dim3A_368 = arith.constant 9999 : i32
    %broadcast_in_dim3A_369 = vector.broadcast %broadcast_in_dim3A_368 : i32 to vector<80x1xi32>
    %swap3A = arith.constant 0 : index
    %swap3A_370 = arith.constant 0 : index
    %swap3A_371 = vector.load %arg10[%swap3A, %swap3A_370] : memref<80x1xi32, #tpu.memory_space<vmem>>, vector<80x1xi32>
    tpu.vector_store %arg10[%swap3A, %swap3A_370], %broadcast_in_dim3A_369 {strides = array<i32>} : memref<80x1xi32, #tpu.memory_space<vmem>>, vector<80x1xi32>,
    %reduce_max3A_372 = vector.shape_cast %broadcast_in_dim3A_355 : vector<80x1xf32> to vector<1x80x1xf32>
    %reduce_max3A_373 = arith.constant dense<0xFF800000> : vector<1xf32>
    %reduce_max3A_374 = vector.multi_reduction <maximumf>, %reduce_max3A_372, %reduce_max3A_373 [1, 2] : vector<1x80x1xf32> to vector<1xf32>
    %reduce_max3A_375 = vector.shape_cast %reduce_max3A_374 : vector<1xf32> to vector<1x1x1xf32>
    %reduce_max3A_376 = vector.extract %reduce_max3A_375[0, 0, 0] : f32 from vector<1x1x1xf32>
    %gt3A_377 = arith.constant 2.000000e+01 : f32
    %gt3A_378 = arith.cmpf ogt, %reduce_max3A_376, %gt3A_377 : f32
    %convert_element_type3A_379 = arith.extui %gt3A_378 : i1 to i32
    %cond3A_380 = arith.constant 0 : i32
    %cond3A_381 = arith.cmpi ne, %convert_element_type3A_379, %cond3A_380 : i32
    scf.if %cond3A_381 {
      %max3A_606 = arith.constant 1.000000e+00 : f32
      %max3A_607 = vector.broadcast %max3A_606 : f32 to vector<80x1xf32>
      %max3A_608 = arith.maximumf %sub3A_364, %max3A_607 : vector<80x1xf32>
      %broadcast_in_dim3A_609 = arith.constant -1 : i32
      %broadcast_in_dim3A_610 = vector.broadcast %broadcast_in_dim3A_609 : i32 to vector<80x1xi32>
      %broadcast_in_dim3A_611 = arith.constant 9999 : i32
      %broadcast_in_dim3A_612 = vector.broadcast %broadcast_in_dim3A_611 : i32 to vector<80x1xi32>
      %scan3A = arith.constant 0 : i32
      %scan3A_613 = arith.constant 15 : i32
      %scan3A_614 = arith.addi %scan3A, %scan3A_613 : i32
      %scan3A_615 = arith.constant 1 : i32
      %scan3A_616:2 = scf.for %scan3A_620 = %scan3A to %scan3A_614 step %scan3A_615 iter_args(%scan3A_621 = %broadcast_in_dim3A_610, %scan3A_622 = %broadcast_in_dim3A_612) -> (vector<80x1xi32>, vector<80x1xi32>)  : i32 {
        %add3A_623 = arith.addi %scan3A_621, %scan3A_622 : vector<80x1xi32>
        %jit3A_624 = arith.constant 2 : i32
        %div3A = vector.broadcast %jit3A_624 : i32 to vector<80x1xi32>
        %div3A_625 = arith.divsi %add3A_623, %div3A : vector<80x1xi32>
        %sign3A = arith.constant 0 : i32
        %sign3A_626 = vector.broadcast %sign3A : i32 to vector<80x1xi32>
        %sign3A_627 = arith.cmpi sgt, %add3A_623, %sign3A_626 : vector<80x1xi32>
        %sign3A_628 = arith.extui %sign3A_627 : vector<80x1xi1> to vector<80x1xi32>
        %sign3A_629 = arith.constant 0 : i32
        %sign3A_630 = vector.broadcast %sign3A_629 : i32 to vector<80x1xi32>
        %sign3A_631 = arith.cmpi slt, %add3A_623, %sign3A_630 : vector<80x1xi32>
        %sign3A_632 = arith.extui %sign3A_631 : vector<80x1xi1> to vector<80x1xi32>
        %sign3A_633 = arith.subi %sign3A_628, %sign3A_632 : vector<80x1xi32>
        %sign3A_634 = arith.constant 0 : i32
        %sign3A_635 = arith.cmpi sgt, %jit3A_624, %sign3A_634 : i32
        %sign3A_636 = arith.extui %sign3A_635 : i1 to i32
        %sign3A_637 = arith.constant 0 : i32
        %sign3A_638 = arith.cmpi slt, %jit3A_624, %sign3A_637 : i32
        %sign3A_639 = arith.extui %sign3A_638 : i1 to i32
        %sign3A_640 = arith.subi %sign3A_636, %sign3A_639 : i32
        %ne3A = vector.broadcast %sign3A_640 : i32 to vector<80x1xi32>
        %ne3A_641 = arith.cmpi ne, %sign3A_633, %ne3A : vector<80x1xi32>
        %rem3A = vector.broadcast %jit3A_624 : i32 to vector<80x1xi32>
        %rem3A_642 = arith.remsi %add3A_623, %rem3A : vector<80x1xi32>
        %ne3A_643 = arith.constant 0 : i32
        %ne3A_644 = vector.broadcast %ne3A_643 : i32 to vector<80x1xi32>
        %ne3A_645 = arith.cmpi ne, %rem3A_642, %ne3A_644 : vector<80x1xi32>
        %and3A_646 = arith.andi %ne3A_641, %ne3A_645 : vector<80x1xi1>
        %sub3A_647 = arith.constant 1 : i32
        %sub3A_648 = vector.broadcast %sub3A_647 : i32 to vector<80x1xi32>
        %sub3A_649 = arith.subi %div3A_625, %sub3A_648 : vector<80x1xi32>
        %select_n3A_650 = arith.select %and3A_646, %sub3A_649, %div3A_625 : vector<80x1xi1>, vector<80x1xi32>
        %le3A_651 = vector.broadcast %select_n3A_650 : vector<80x1xi32> to vector<80x10000xi32>
        %le3A_652 = arith.cmpi sle, %iota3A_367, %le3A_651 : vector<80x10000xi32>
        %and3A_653 = arith.andi %eq3A_366, %le3A_652 : vector<80x10000xi1>
        %jit3A_654 = arith.constant 1.000000e+00 : f32
        %jit3A_655 = arith.constant 0.000000e+00 : f32
        %broadcast_in_dim3A_656 = vector.broadcast %jit3A_654 : f32 to vector<80x10000xf32>
        %broadcast_in_dim3A_657 = vector.broadcast %jit3A_655 : f32 to vector<80x10000xf32>
        %select_n3A_658 = arith.select %and3A_653, %broadcast_in_dim3A_656, %broadcast_in_dim3A_657 : vector<80x10000xi1>, vector<80x10000xf32>
        %reduce_sum3A_659 = arith.constant dense<0.000000e+00> : vector<80xf32>
        %reduce_sum3A_660 = vector.multi_reduction <add>, %select_n3A_658, %reduce_sum3A_659 [1] : vector<80x10000xf32> to vector<80xf32>
        %broadcast_in_dim3A_661 = vector.shape_cast %reduce_sum3A_660 : vector<80xf32> to vector<80x1xf32>
        %ge3A_662 = arith.cmpf oge, %broadcast_in_dim3A_661, %max3A_608 : vector<80x1xf32>
        %select_n3A_663 = arith.select %ge3A_662, %scan3A_621, %select_n3A_650 : vector<80x1xi1>, vector<80x1xi32>
        %select_n3A_664 = arith.select %ge3A_662, %select_n3A_650, %scan3A_622 : vector<80x1xi1>, vector<80x1xi32>
        scf.yield %select_n3A_663, %select_n3A_664 : vector<80x1xi32>, vector<80x1xi32>
      }
      %swap3A_617 = arith.constant 0 : index
      %swap3A_618 = arith.constant 0 : index
      %swap3A_619 = vector.load %arg10[%swap3A_617, %swap3A_618] : memref<80x1xi32, #tpu.memory_space<vmem>>, vector<80x1xi32>
      tpu.vector_store %arg10[%swap3A_617, %swap3A_618], %scan3A_616#1 {strides = array<i32>} : memref<80x1xi32, #tpu.memory_space<vmem>>, vector<80x1xi32>,
    } else {
    }
    %get3A_382 = arith.constant 0 : index
    %get3A_383 = arith.constant 0 : index
    %get3A_384 = vector.load %arg10[%get3A_382, %get3A_383] : memref<80x1xi32, #tpu.memory_space<vmem>>, vector<80x1xi32>
    %gt3A_385 = vector.broadcast %bitcast_convert_type3A_349 : vector<80x1xf32> to vector<80x10000xf32>
    %gt3A_386 = arith.cmpf ogt, %add3A, %gt3A_385 : vector<80x10000xf32>
    %le3A = vector.broadcast %get3A_384 : vector<80x1xi32> to vector<80x10000xi32>
    %le3A_387 = arith.cmpi sle, %iota3A_367, %le3A : vector<80x10000xi32>
    %and3A = arith.andi %eq3A_366, %le3A_387 : vector<80x10000xi1>
    %ge3A_388 = arith.constant 1.000000e+00 : f32
    %ge3A_389 = vector.broadcast %ge3A_388 : f32 to vector<80x1xf32>
    %ge3A_390 = arith.cmpf oge, %sub3A_364, %ge3A_389 : vector<80x1xf32>
    %and3A_391 = vector.broadcast %ge3A_390 : vector<80x1xi1> to vector<80x10000xi1>
    %and3A_392 = arith.andi %and3A, %and3A_391 : vector<80x10000xi1>
    %or3A = arith.ori %gt3A_386, %and3A_392 : vector<80x10000xi1>
    %gt3A_393 = arith.constant 0.000000e+00 : f32
    %gt3A_394 = vector.broadcast %gt3A_393 : f32 to vector<80x10000xf32>
    %gt3A_395 = arith.cmpf ogt, %max3A_23, %gt3A_394 : vector<80x10000xf32>
    %and3A_396 = arith.andi %or3A, %gt3A_395 : vector<80x10000xi1>
    %convert_element_type3A_397 = arith.extui %and3A_396 : vector<80x10000xi1> to vector<80x10000xi32>
    %convert_element_type3A_398 = arith.sitofp %convert_element_type3A_397 : vector<80x10000xi32> to vector<80x10000xf32>
    %reduce_sum3A_399 = arith.constant dense<0.000000e+00> : vector<80xf32>
    %reduce_sum3A_400 = vector.multi_reduction <add>, %convert_element_type3A_398, %reduce_sum3A_399 [1] : vector<80x10000xf32> to vector<80xf32>
    %broadcast_in_dim3A_401 = vector.shape_cast %reduce_sum3A_400 : vector<80xf32> to vector<80x1xf32>
    %iota3A_402 = tpu.iota {dimensions = array<i32: 0>} : vector<80x80xi32>
    %iota3A_403 = tpu.iota {dimensions = array<i32: 1>} : vector<80x80xi32>
    %gt3A_404 = arith.cmpi sgt, %iota3A_402, %iota3A_403 : vector<80x80xi32>
    %convert_element_type3A_405 = arith.extui %gt3A_404 : vector<80x80xi1> to vector<80x80xi32>
    %convert_element_type3A_406 = arith.sitofp %convert_element_type3A_405 : vector<80x80xi32> to vector<80x80xf32>
    %dot_general3A_407 = arith.constant dense<0.000000e+00> : vector<80x1xf32>
    %dot_general3A_408 = tpu.matmul %convert_element_type3A_406, %broadcast_in_dim3A_401, %dot_general3A_407 {dimension_numbers = #tpu.dot_dimension_numbers<[1], [0], [0], [1], [0, 0, 1, 1], [], []>, transpose_lhs_hint = false} : vector<80x80xf32>, vector<80x1xf32>, vector<80x1xf32> -> vector<80x1xf32>
    %convert_element_type3A_409 = arith.fptosi %dot_general3A_408 : vector<80x1xf32> to vector<80x1xi32>
    %add3A_410 = vector.broadcast %get3A_2 : i32 to vector<80x1xi32>
    %add3A_411 = arith.addi %add3A_410, %convert_element_type3A_409 : vector<80x1xi32>
    %jit3A_412 = arith.constant 10000 : i32
    %broadcast_in_dim3A_413 = vector.broadcast %jit3A_412 : i32 to vector<80x10000xi32>
    %select_n3A_414 = arith.select %and3A_396, %iota3A_367, %broadcast_in_dim3A_413 : vector<80x10000xi1>, vector<80x10000xi32>
    %reduce_min3A = arith.constant dense<2147483647> : vector<80xi32>
    %reduce_min3A_415 = vector.multi_reduction <minsi>, %select_n3A_414, %reduce_min3A [1] : vector<80x10000xi32> to vector<80xi32>
    %broadcast_in_dim3A_416 = vector.shape_cast %reduce_min3A_415 : vector<80xi32> to vector<80x1xi32>
    %eq3A_417 = vector.broadcast %broadcast_in_dim3A_416 : vector<80x1xi32> to vector<80x10000xi32>
    %eq3A_418 = arith.cmpi eq, %select_n3A_414, %eq3A_417 : vector<80x10000xi32>
    %jit3A_419 = arith.constant 10000 : i32
    %broadcast_in_dim3A_420 = vector.broadcast %jit3A_419 : i32 to vector<80x10000xi32>
    %select_n3A_421 = arith.select %eq3A_418, %broadcast_in_dim3A_420, %select_n3A_414 : vector<80x10000xi1>, vector<80x10000xi32>
    %reduce_min3A_422 = arith.constant dense<2147483647> : vector<80xi32>
    %reduce_min3A_423 = vector.multi_reduction <minsi>, %select_n3A_421, %reduce_min3A_422 [1] : vector<80x10000xi32> to vector<80xi32>
    %broadcast_in_dim3A_424 = vector.shape_cast %reduce_min3A_423 : vector<80xi32> to vector<80x1xi32>
    %eq3A_425 = vector.broadcast %broadcast_in_dim3A_424 : vector<80x1xi32> to vector<80x10000xi32>
    %eq3A_426 = arith.cmpi eq, %select_n3A_421, %eq3A_425 : vector<80x10000xi32>
    %jit3A_427 = arith.constant 10000 : i32
    %broadcast_in_dim3A_428 = vector.broadcast %jit3A_427 : i32 to vector<80x10000xi32>
    %select_n3A_429 = arith.select %eq3A_426, %broadcast_in_dim3A_428, %select_n3A_421 : vector<80x10000xi1>, vector<80x10000xi32>
    %reduce_min3A_430 = arith.constant dense<2147483647> : vector<80xi32>
    %reduce_min3A_431 = vector.multi_reduction <minsi>, %select_n3A_429, %reduce_min3A_430 [1] : vector<80x10000xi32> to vector<80xi32>
    %broadcast_in_dim3A_432 = vector.shape_cast %reduce_min3A_431 : vector<80xi32> to vector<80x1xi32>
    %eq3A_433 = vector.broadcast %broadcast_in_dim3A_432 : vector<80x1xi32> to vector<80x10000xi32>
    %eq3A_434 = arith.cmpi eq, %select_n3A_429, %eq3A_433 : vector<80x10000xi32>
    %jit3A_435 = arith.constant 10000 : i32
    %broadcast_in_dim3A_436 = vector.broadcast %jit3A_435 : i32 to vector<80x10000xi32>
    %select_n3A_437 = arith.select %eq3A_434, %broadcast_in_dim3A_436, %select_n3A_429 : vector<80x10000xi1>, vector<80x10000xi32>
    %reduce_min3A_438 = arith.constant dense<2147483647> : vector<80xi32>
    %reduce_min3A_439 = vector.multi_reduction <minsi>, %select_n3A_437, %reduce_min3A_438 [1] : vector<80x10000xi32> to vector<80xi32>
    %broadcast_in_dim3A_440 = vector.shape_cast %reduce_min3A_439 : vector<80xi32> to vector<80x1xi32>
    %eq3A_441 = vector.broadcast %broadcast_in_dim3A_440 : vector<80x1xi32> to vector<80x10000xi32>
    %eq3A_442 = arith.cmpi eq, %select_n3A_437, %eq3A_441 : vector<80x10000xi32>
    %jit3A_443 = arith.constant 10000 : i32
    %broadcast_in_dim3A_444 = vector.broadcast %jit3A_443 : i32 to vector<80x10000xi32>
    %select_n3A_445 = arith.select %eq3A_442, %broadcast_in_dim3A_444, %select_n3A_437 : vector<80x10000xi1>, vector<80x10000xi32>
    %reduce_min3A_446 = arith.constant dense<2147483647> : vector<80xi32>
    %reduce_min3A_447 = vector.multi_reduction <minsi>, %select_n3A_445, %reduce_min3A_446 [1] : vector<80x10000xi32> to vector<80xi32>
    %broadcast_in_dim3A_448 = vector.shape_cast %reduce_min3A_447 : vector<80xi32> to vector<80x1xi32>
    %eq3A_449 = vector.broadcast %broadcast_in_dim3A_448 : vector<80x1xi32> to vector<80x10000xi32>
    %eq3A_450 = arith.cmpi eq, %select_n3A_445, %eq3A_449 : vector<80x10000xi32>
    %jit3A_451 = arith.constant 10000 : i32
    %broadcast_in_dim3A_452 = vector.broadcast %jit3A_451 : i32 to vector<80x10000xi32>
    %select_n3A_453 = arith.select %eq3A_450, %broadcast_in_dim3A_452, %select_n3A_445 : vector<80x10000xi1>, vector<80x10000xi32>
    %reduce_min3A_454 = arith.constant dense<2147483647> : vector<80xi32>
    %reduce_min3A_455 = vector.multi_reduction <minsi>, %select_n3A_453, %reduce_min3A_454 [1] : vector<80x10000xi32> to vector<80xi32>
    %broadcast_in_dim3A_456 = vector.shape_cast %reduce_min3A_455 : vector<80xi32> to vector<80x1xi32>
    %eq3A_457 = vector.broadcast %broadcast_in_dim3A_456 : vector<80x1xi32> to vector<80x10000xi32>
    %eq3A_458 = arith.cmpi eq, %select_n3A_453, %eq3A_457 : vector<80x10000xi32>
    %jit3A_459 = arith.constant 10000 : i32
    %broadcast_in_dim3A_460 = vector.broadcast %jit3A_459 : i32 to vector<80x10000xi32>
    %select_n3A_461 = arith.select %eq3A_458, %broadcast_in_dim3A_460, %select_n3A_453 : vector<80x10000xi1>, vector<80x10000xi32>
    %reduce_min3A_462 = arith.constant dense<2147483647> : vector<80xi32>
    %reduce_min3A_463 = vector.multi_reduction <minsi>, %select_n3A_461, %reduce_min3A_462 [1] : vector<80x10000xi32> to vector<80xi32>
    %broadcast_in_dim3A_464 = vector.shape_cast %reduce_min3A_463 : vector<80xi32> to vector<80x1xi32>
    %eq3A_465 = vector.broadcast %broadcast_in_dim3A_464 : vector<80x1xi32> to vector<80x10000xi32>
    %eq3A_466 = arith.cmpi eq, %select_n3A_461, %eq3A_465 : vector<80x10000xi32>
    %jit3A_467 = arith.constant 10000 : i32
    %broadcast_in_dim3A_468 = vector.broadcast %jit3A_467 : i32 to vector<80x10000xi32>
    %select_n3A_469 = arith.select %eq3A_466, %broadcast_in_dim3A_468, %select_n3A_461 : vector<80x10000xi1>, vector<80x10000xi32>
    %reduce_min3A_470 = arith.constant dense<2147483647> : vector<80xi32>
    %reduce_min3A_471 = vector.multi_reduction <minsi>, %select_n3A_469, %reduce_min3A_470 [1] : vector<80x10000xi32> to vector<80xi32>
    %broadcast_in_dim3A_472 = vector.shape_cast %reduce_min3A_471 : vector<80xi32> to vector<80x1xi32>
    %eq3A_473 = vector.broadcast %broadcast_in_dim3A_472 : vector<80x1xi32> to vector<80x10000xi32>
    %eq3A_474 = arith.cmpi eq, %select_n3A_469, %eq3A_473 : vector<80x10000xi32>
    %jit3A_475 = arith.constant 10000 : i32
    %broadcast_in_dim3A_476 = vector.broadcast %jit3A_475 : i32 to vector<80x10000xi32>
    %select_n3A_477 = arith.select %eq3A_474, %broadcast_in_dim3A_476, %select_n3A_469 : vector<80x10000xi1>, vector<80x10000xi32>
    %reduce_min3A_478 = arith.constant dense<2147483647> : vector<80xi32>
    %reduce_min3A_479 = vector.multi_reduction <minsi>, %select_n3A_477, %reduce_min3A_478 [1] : vector<80x10000xi32> to vector<80xi32>
    %broadcast_in_dim3A_480 = vector.shape_cast %reduce_min3A_479 : vector<80xi32> to vector<80x1xi32>
    %eq3A_481 = vector.broadcast %broadcast_in_dim3A_480 : vector<80x1xi32> to vector<80x10000xi32>
    %eq3A_482 = arith.cmpi eq, %select_n3A_477, %eq3A_481 : vector<80x10000xi32>
    %jit3A_483 = arith.constant 10000 : i32
    %broadcast_in_dim3A_484 = vector.broadcast %jit3A_483 : i32 to vector<80x10000xi32>
    %select_n3A_485 = arith.select %eq3A_482, %broadcast_in_dim3A_484, %select_n3A_477 : vector<80x10000xi1>, vector<80x10000xi32>
    %reduce_min3A_486 = arith.constant dense<2147483647> : vector<80xi32>
    %reduce_min3A_487 = vector.multi_reduction <minsi>, %select_n3A_485, %reduce_min3A_486 [1] : vector<80x10000xi32> to vector<80xi32>
    %broadcast_in_dim3A_488 = vector.shape_cast %reduce_min3A_487 : vector<80xi32> to vector<80x1xi32>
    %eq3A_489 = vector.broadcast %broadcast_in_dim3A_488 : vector<80x1xi32> to vector<80x10000xi32>
    %eq3A_490 = arith.cmpi eq, %select_n3A_485, %eq3A_489 : vector<80x10000xi32>
    %jit3A_491 = arith.constant 10000 : i32
    %broadcast_in_dim3A_492 = vector.broadcast %jit3A_491 : i32 to vector<80x10000xi32>
    %select_n3A_493 = arith.select %eq3A_490, %broadcast_in_dim3A_492, %select_n3A_485 : vector<80x10000xi1>, vector<80x10000xi32>
    %reduce_min3A_494 = arith.constant dense<2147483647> : vector<80xi32>
    %reduce_min3A_495 = vector.multi_reduction <minsi>, %select_n3A_493, %reduce_min3A_494 [1] : vector<80x10000xi32> to vector<80xi32>
    %broadcast_in_dim3A_496 = vector.shape_cast %reduce_min3A_495 : vector<80xi32> to vector<80x1xi32>
    %eq3A_497 = vector.broadcast %broadcast_in_dim3A_496 : vector<80x1xi32> to vector<80x10000xi32>
    %eq3A_498 = arith.cmpi eq, %select_n3A_493, %eq3A_497 : vector<80x10000xi32>
    %jit3A_499 = arith.constant 10000 : i32
    %broadcast_in_dim3A_500 = vector.broadcast %jit3A_499 : i32 to vector<80x10000xi32>
    %select_n3A_501 = arith.select %eq3A_498, %broadcast_in_dim3A_500, %select_n3A_493 : vector<80x10000xi1>, vector<80x10000xi32>
    %reduce_min3A_502 = arith.constant dense<2147483647> : vector<80xi32>
    %reduce_min3A_503 = vector.multi_reduction <minsi>, %select_n3A_501, %reduce_min3A_502 [1] : vector<80x10000xi32> to vector<80xi32>
    %broadcast_in_dim3A_504 = vector.shape_cast %reduce_min3A_503 : vector<80xi32> to vector<80x1xi32>
    %eq3A_505 = vector.broadcast %broadcast_in_dim3A_504 : vector<80x1xi32> to vector<80x10000xi32>
    %eq3A_506 = arith.cmpi eq, %select_n3A_501, %eq3A_505 : vector<80x10000xi32>
    %jit3A_507 = arith.constant 10000 : i32
    %broadcast_in_dim3A_508 = vector.broadcast %jit3A_507 : i32 to vector<80x10000xi32>
    %select_n3A_509 = arith.select %eq3A_506, %broadcast_in_dim3A_508, %select_n3A_501 : vector<80x10000xi1>, vector<80x10000xi32>
    %reduce_min3A_510 = arith.constant dense<2147483647> : vector<80xi32>
    %reduce_min3A_511 = vector.multi_reduction <minsi>, %select_n3A_509, %reduce_min3A_510 [1] : vector<80x10000xi32> to vector<80xi32>
    %broadcast_in_dim3A_512 = vector.shape_cast %reduce_min3A_511 : vector<80xi32> to vector<80x1xi32>
    %eq3A_513 = vector.broadcast %broadcast_in_dim3A_512 : vector<80x1xi32> to vector<80x10000xi32>
    %eq3A_514 = arith.cmpi eq, %select_n3A_509, %eq3A_513 : vector<80x10000xi32>
    %jit3A_515 = arith.constant 10000 : i32
    %broadcast_in_dim3A_516 = vector.broadcast %jit3A_515 : i32 to vector<80x10000xi32>
    %select_n3A_517 = arith.select %eq3A_514, %broadcast_in_dim3A_516, %select_n3A_509 : vector<80x10000xi1>, vector<80x10000xi32>
    %reduce_min3A_518 = arith.constant dense<2147483647> : vector<80xi32>
    %reduce_min3A_519 = vector.multi_reduction <minsi>, %select_n3A_517, %reduce_min3A_518 [1] : vector<80x10000xi32> to vector<80xi32>
    %broadcast_in_dim3A_520 = vector.shape_cast %reduce_min3A_519 : vector<80xi32> to vector<80x1xi32>
    %eq3A_521 = vector.broadcast %broadcast_in_dim3A_520 : vector<80x1xi32> to vector<80x10000xi32>
    %eq3A_522 = arith.cmpi eq, %select_n3A_517, %eq3A_521 : vector<80x10000xi32>
    %jit3A_523 = arith.constant 10000 : i32
    %broadcast_in_dim3A_524 = vector.broadcast %jit3A_523 : i32 to vector<80x10000xi32>
    %select_n3A_525 = arith.select %eq3A_522, %broadcast_in_dim3A_524, %select_n3A_517 : vector<80x10000xi1>, vector<80x10000xi32>
    %reduce_min3A_526 = arith.constant dense<2147483647> : vector<80xi32>
    %reduce_min3A_527 = vector.multi_reduction <minsi>, %select_n3A_525, %reduce_min3A_526 [1] : vector<80x10000xi32> to vector<80xi32>
    %broadcast_in_dim3A_528 = vector.shape_cast %reduce_min3A_527 : vector<80xi32> to vector<80x1xi32>
    %eq3A_529 = vector.broadcast %broadcast_in_dim3A_528 : vector<80x1xi32> to vector<80x10000xi32>
    %eq3A_530 = arith.cmpi eq, %select_n3A_525, %eq3A_529 : vector<80x10000xi32>
    %jit3A_531 = arith.constant 10000 : i32
    %broadcast_in_dim3A_532 = vector.broadcast %jit3A_531 : i32 to vector<80x10000xi32>
    %select_n3A_533 = arith.select %eq3A_530, %broadcast_in_dim3A_532, %select_n3A_525 : vector<80x10000xi1>, vector<80x10000xi32>
    %reduce_min3A_534 = arith.constant dense<2147483647> : vector<80xi32>
    %reduce_min3A_535 = vector.multi_reduction <minsi>, %select_n3A_533, %reduce_min3A_534 [1] : vector<80x10000xi32> to vector<80xi32>
    %broadcast_in_dim3A_536 = vector.shape_cast %reduce_min3A_535 : vector<80xi32> to vector<80x1xi32>
    %eq3A_537 = vector.broadcast %broadcast_in_dim3A_536 : vector<80x1xi32> to vector<80x10000xi32>
    %eq3A_538 = arith.cmpi eq, %select_n3A_533, %eq3A_537 : vector<80x10000xi32>
    %jit3A_539 = arith.constant 10000 : i32
    %broadcast_in_dim3A_540 = vector.broadcast %jit3A_539 : i32 to vector<80x10000xi32>
    %select_n3A_541 = arith.select %eq3A_538, %broadcast_in_dim3A_540, %select_n3A_533 : vector<80x10000xi1>, vector<80x10000xi32>
    %reduce_min3A_542 = arith.constant dense<2147483647> : vector<80xi32>
    %reduce_min3A_543 = vector.multi_reduction <minsi>, %select_n3A_541, %reduce_min3A_542 [1] : vector<80x10000xi32> to vector<80xi32>
    %broadcast_in_dim3A_544 = vector.shape_cast %reduce_min3A_543 : vector<80xi32> to vector<80x1xi32>
    %eq3A_545 = vector.broadcast %broadcast_in_dim3A_544 : vector<80x1xi32> to vector<80x10000xi32>
    %eq3A_546 = arith.cmpi eq, %select_n3A_541, %eq3A_545 : vector<80x10000xi32>
    %jit3A_547 = arith.constant 10000 : i32
    %broadcast_in_dim3A_548 = vector.broadcast %jit3A_547 : i32 to vector<80x10000xi32>
    %select_n3A_549 = arith.select %eq3A_546, %broadcast_in_dim3A_548, %select_n3A_541 : vector<80x10000xi1>, vector<80x10000xi32>
    %reduce_min3A_550 = arith.constant dense<2147483647> : vector<80xi32>
    %reduce_min3A_551 = vector.multi_reduction <minsi>, %select_n3A_549, %reduce_min3A_550 [1] : vector<80x10000xi32> to vector<80xi32>
    %broadcast_in_dim3A_552 = vector.shape_cast %reduce_min3A_551 : vector<80xi32> to vector<80x1xi32>
    %eq3A_553 = vector.broadcast %broadcast_in_dim3A_552 : vector<80x1xi32> to vector<80x10000xi32>
    %eq3A_554 = arith.cmpi eq, %select_n3A_549, %eq3A_553 : vector<80x10000xi32>
    %jit3A_555 = arith.constant 10000 : i32
    %broadcast_in_dim3A_556 = vector.broadcast %jit3A_555 : i32 to vector<80x10000xi32>
    %select_n3A_557 = arith.select %eq3A_554, %broadcast_in_dim3A_556, %select_n3A_549 : vector<80x10000xi1>, vector<80x10000xi32>
    %reduce_min3A_558 = arith.constant dense<2147483647> : vector<80xi32>
    %reduce_min3A_559 = vector.multi_reduction <minsi>, %select_n3A_557, %reduce_min3A_558 [1] : vector<80x10000xi32> to vector<80xi32>
    %broadcast_in_dim3A_560 = vector.shape_cast %reduce_min3A_559 : vector<80xi32> to vector<80x1xi32>
    %eq3A_561 = vector.broadcast %broadcast_in_dim3A_560 : vector<80x1xi32> to vector<80x10000xi32>
    %eq3A_562 = arith.cmpi eq, %select_n3A_557, %eq3A_561 : vector<80x10000xi32>
    %jit3A_563 = arith.constant 10000 : i32
    %broadcast_in_dim3A_564 = vector.broadcast %jit3A_563 : i32 to vector<80x10000xi32>
    %select_n3A_565 = arith.select %eq3A_562, %broadcast_in_dim3A_564, %select_n3A_557 : vector<80x10000xi1>, vector<80x10000xi32>
    %reduce_min3A_566 = arith.constant dense<2147483647> : vector<80xi32>
    %reduce_min3A_567 = vector.multi_reduction <minsi>, %select_n3A_565, %reduce_min3A_566 [1] : vector<80x10000xi32> to vector<80xi32>
    %broadcast_in_dim3A_568 = vector.shape_cast %reduce_min3A_567 : vector<80xi32> to vector<80x1xi32>
    %concatenate3A = tpu.concatenate %broadcast_in_dim3A_416, %broadcast_in_dim3A_424, %broadcast_in_dim3A_432, %broadcast_in_dim3A_440, %broadcast_in_dim3A_448, %broadcast_in_dim3A_456, %broadcast_in_dim3A_464, %broadcast_in_dim3A_472, %broadcast_in_dim3A_480, %broadcast_in_dim3A_488, %broadcast_in_dim3A_496, %broadcast_in_dim3A_504, %broadcast_in_dim3A_512, %broadcast_in_dim3A_520, %broadcast_in_dim3A_528, %broadcast_in_dim3A_536, %broadcast_in_dim3A_544, %broadcast_in_dim3A_552, %broadcast_in_dim3A_560, %broadcast_in_dim3A_568 in 1 : vector<80x1xi32>, vector<80x1xi32>, vector<80x1xi32>, vector<80x1xi32>, vector<80x1xi32>, vector<80x1xi32>, vector<80x1xi32>, vector<80x1xi32>, vector<80x1xi32>, vector<80x1xi32>, vector<80x1xi32>, vector<80x1xi32>, vector<80x1xi32>, vector<80x1xi32>, vector<80x1xi32>, vector<80x1xi32>, vector<80x1xi32>, vector<80x1xi32>, vector<80x1xi32>, vector<80x1xi32> -> vector<80x20xi32>
    %iota3A_569 = tpu.iota {dimensions = array<i32: 1>} : vector<80x20xi32>
    %lt3A = arith.constant 10000 : i32
    %lt3A_570 = vector.broadcast %lt3A : i32 to vector<80x20xi32>
    %lt3A_571 = arith.cmpi slt, %concatenate3A, %lt3A_570 : vector<80x20xi32>
    %iota3A_572 = tpu.iota {dimensions = array<i32: 0>} : vector<80x20xi32>
    %add3A_573 = vector.broadcast %mul3A_3 : i32 to vector<80x20xi32>
    %add3A_574 = arith.addi %add3A_573, %iota3A_572 : vector<80x20xi32>
    %add3A_575 = vector.broadcast %add3A_411 : vector<80x1xi32> to vector<80x20xi32>
    %add3A_576 = arith.addi %add3A_575, %iota3A_569 : vector<80x20xi32>
    %jit3A_577 = arith.constant 200696 : i32
    %broadcast_in_dim3A_578 = vector.broadcast %jit3A_577 : i32 to vector<80x20xi32>
    %select_n3A_579 = arith.select %lt3A_571, %add3A_576, %broadcast_in_dim3A_578 : vector<80x20xi1>, vector<80x20xi32>
    %swap3A_580 = arith.constant 0 : index
    %swap3A_581 = arith.constant 0 : index
    %swap3A_582 = vector.load %arg6[%swap3A_580, %swap3A_581] : memref<80x20xi32, #tpu.memory_space<vmem>>, vector<80x20xi32>
    tpu.vector_store %arg6[%swap3A_580, %swap3A_581], %select_n3A_579 {strides = array<i32>} : memref<80x20xi32, #tpu.memory_space<vmem>>, vector<80x20xi32>,
    %jit3A_583 = arith.constant 0 : i32
    %broadcast_in_dim3A_584 = vector.broadcast %jit3A_583 : i32 to vector<80x20xi32>
    %select_n3A_585 = arith.select %lt3A_571, %concatenate3A, %broadcast_in_dim3A_584 : vector<80x20xi1>, vector<80x20xi32>
    %convert_element_type3A_586 = arith.sitofp %select_n3A_585 : vector<80x20xi32> to vector<80x20xf32>
    %swap3A_587 = arith.constant 0 : index
    %swap3A_588 = arith.constant 0 : index
    %swap3A_589 = vector.load %arg7[%swap3A_587, %swap3A_588] : memref<80x20xf32, #tpu.memory_space<vmem>>, vector<80x20xf32>
    tpu.vector_store %arg7[%swap3A_587, %swap3A_588], %convert_element_type3A_586 {strides = array<i32>} : memref<80x20xf32, #tpu.memory_space<vmem>>, vector<80x20xf32>,
    %jit3A_590 = arith.constant 0 : i32
    %broadcast_in_dim3A_591 = vector.broadcast %jit3A_590 : i32 to vector<80x20xi32>
    %select_n3A_592 = arith.select %lt3A_571, %add3A_574, %broadcast_in_dim3A_591 : vector<80x20xi1>, vector<80x20xi32>
    %convert_element_type3A_593 = arith.sitofp %select_n3A_592 : vector<80x20xi32> to vector<80x20xf32>
    %swap3A_594 = arith.constant 0 : index
    %swap3A_595 = arith.constant 0 : index
    %swap3A_596 = vector.load %arg8[%swap3A_594, %swap3A_595] : memref<80x20xf32, #tpu.memory_space<vmem>>, vector<80x20xf32>
    tpu.vector_store %arg8[%swap3A_594, %swap3A_595], %convert_element_type3A_593 {strides = array<i32>} : memref<80x20xf32, #tpu.memory_space<vmem>>, vector<80x20xf32>,
    %reduce_sum3A_597 = vector.shape_cast %broadcast_in_dim3A_401 : vector<80x1xf32> to vector<1x80x1xf32>
    %reduce_sum3A_598 = arith.constant dense<0.000000e+00> : vector<1xf32>
    %reduce_sum3A_599 = vector.multi_reduction <add>, %reduce_sum3A_597, %reduce_sum3A_598 [1, 2] : vector<1x80x1xf32> to vector<1xf32>
    %reduce_sum3A_600 = vector.shape_cast %reduce_sum3A_599 : vector<1xf32> to vector<1x1x1xf32>
    %reduce_sum3A_601 = vector.extract %reduce_sum3A_600[0, 0, 0] : f32 from vector<1x1x1xf32>
    %convert_element_type3A_602 = arith.fptosi %reduce_sum3A_601 : f32 to i32
    %add3A_603 = arith.addi %get3A_2, %convert_element_type3A_602 : i32
    %swap3A_604 = arith.constant 0 : index
    %swap3A_605 = memref.load %arg9[%swap3A_604] : memref<1xi32, #tpu.memory_space<smem>>
    memref.store %add3A_603, %arg9[%swap3A_604] : memref<1xi32, #tpu.memory_space<smem>>
    return
  }
  func.func @transform_0(%arg0: i32) -> (i32, i32) {
    %c0_i32 = arith.constant 0 : i32
    %c0_i32_0 = arith.constant 0 : i32
    %c0_i32_1 = arith.constant 0 : i32
    return %c0_i32, %c0_i32_0 : i32, i32
  }
  func.func @transform_1(%arg0: i32) -> (i32, i32) {
    %c0_i32 = arith.constant 0 : i32
    %c0_i32_0 = arith.constant 0 : i32
    %c0_i32_1 = arith.constant 0 : i32
    return %c0_i32, %c0_i32_0 : i32, i32
  }
  func.func @transform_2(%arg0: i32) -> (i32, i32) {
    %c0_i32 = arith.constant 0 : i32
    %c0_i32_0 = arith.constant 0 : i32
    %c0_i32_1 = arith.constant 0 : i32
    return %c0_i32, %c0_i32_0 : i32, i32
  }
  func.func @transform_3(%arg0: i32) -> (i32, i32) {
    %c0_i32 = arith.constant 0 : i32
    %c0_i32_0 = arith.constant 0 : i32
    %c0_i32_1 = arith.constant 0 : i32
    return %c0_i32, %c0_i32_0 : i32, i32
  }
  func.func @transform_4(%arg0: i32) -> (i32, i32) {
    %c0_i32 = arith.constant 0 : i32
    %c0_i32_0 = arith.constant 0 : i32
    return %arg0, %c0_i32 : i32, i32
  }
  func.func @transform_5(%arg0: i32) -> (i32, i32) {
    %c0_i32 = arith.constant 0 : i32
    %c0_i32_0 = arith.constant 0 : i32
    return %arg0, %c0_i32 : i32, i32
  }
  func.func @transform_6(%arg0: i32) -> (i32, i32) {
    %c0_i32 = arith.constant 0 : i32
    %c0_i32_0 = arith.constant 0 : i32
    return %arg0, %c0_i32 : i32, i32
  }
  func.func @transform_7(%arg0: i32) -> (i32, i32) {
    %c0_i32 = arith.constant 0 : i32
    %c0_i32_0 = arith.constant 0 : i32
    return %arg0, %c0_i32 : i32, i32
  }
}

</mosaic_0001>

<sc_bundles>
// kernel: kernel.5.cloned.1.call-start
scs
__scs_entry_jumppad:
0x0: {  	(pc) =	sbr.rel $0x88, $3  }
0x1: {  	(tag) =	ssettag $0x0;
	lr =	simm.s32 $0x1  }
0x2: {  	[smem:$0x3F9B] =	sst lr;
	_ =	strace $0xD0000000  }
0x3: {  	_ = 	snop  }
0x4: {  	_ = 	snop  }
0x5: {  	_ = 	snop  }
0x6: {  	_ = 	snop  }
0x7: {  	_ = 	snop  }
__scs_overlays_trampoline_lowered:
0x8: {  	[smem:$0x3FAA] =	sst s0  }
0x9: {  	[smem:$0x3FAB] =	sst s1  }
0xa: {  	[smem:$0x3FAC] =	sst s2  }
0xb: {  	[smem:$0x3FAD] =	sst s3  }
0xc: {  	[smem:$0x3FAE] =	sst s4  }
0xd: {  	[smem:$0x3FAF] =	sst s5  }
0xe: {  	[smem:$0x3FB0] =	sst s6  }
0xf: {  	[smem:$0x3FB1] =	sst s7  }
0x10: {  	[smem:$0x3FB2] =	sst s8  }
0x11: {  	[smem:$0x3FB3] =	sst s9;
	s0 =	simm.s32 @!p0 $0x0  }
0x12: {  	s1 =	sld [smem:$0x3F99];
	s0 =	simm.s32 @p0 $0x1  }
0x13: {  	[smem:$0x3FB4] =	sst s0;
	s0 =	simm.s32 @!p1 $0x0  }
0x14: {  	s2 =	sld [smem:$0x3F98];
	s0 =	simm.s32 @p1 $0x1  }
0x15: {  	[smem:$0x3FB5] =	sst s0;
	s0 =	simm.s32 @!p2 $0x0  }
0x16: {  	s3 =	sld [smem:$0x3FDB];
	s0 =	simm.s32 @p2 $0x1  }
0x17: {  	s4 =	simm.s32 $0x1BF5;
	[smem:$0x3FB7] =	sst s0  }
0x18: {  	s0 =	sld [smem:$0x3F9A];
	_ =	swait.ge [sflag:s4], $0x0  }
0x19: {  	s7 =	sld [smem:$0x3F9B]  }
0x1a: {  	s8 =	sadd.s32 $0xFFFFE003, lr  }
0x1b: {  	s9 =	sadd.s32 $0xFFFFFEF7, lr;
	s5 =	simm.s32 $0xFFFFFFFF;
	p2 =	slt.u32 s8, $0xFFFFF086  }
0x1c: {  	p1 =	slt.u32 s9, $0xF7A;
	s5 =	simm.s32 @!p2 $0x0  }
0x1d: {  	s5 =	simm.s32 @p1 $0x1;
	p0 =	seq.s32 s7, s2  }
0x1e: {  	s7 =	smul.u32 @!p0 $0xF7A, s2;
	p2 =	seq.s32 @!p0 s5, $0x0  }
0x1f: {  	s9 =	smul.u32 $0xF7A, s1;
	s8 =	simm.s32 @!p0 $0x1BF5;
	p2 =	por !p2, p0  }
0x20: {  	[sflag:s8] =	ssyncset.s32 @!p0 $0xFFFFF086;
	s6 =	sadd.s32 @!p0 s3, s7;
	s7 =	simm.s32 @!p0 $0x108  }
0x21: {  	s3 =	sadd.s32 s3, s9;
	s6 =	sadd.s32 @!p0 $0x88, s6;
	s7 =	simm.s32 @p2 $0x1082  }
0x22: {  	[simem:s7], [sflag:s8] =	dma.local @!p0 [hbm:s6], $0xF7A  }
0x23: {  	s9 =	sor.u32 $0xD0000000, s2;
	s6 =	simm.s32 $0x108;
	_ =	swait.ge @!p0 [sflag:s8], $0x0  }
0x24: {  	s3 =	sadd.s32 $0x88, s3;
	s6 =	simm.s32 @!p1 $0x1082;
	[sflag:s4] =	ssyncset.s32 $0xFFFFF086  }
0x25: {  	[simem:s6], [sflag:s4] =	dma.local [hbm:s3], $0xF7A  }
0x26: {  	[smem:$0x3F9B] =	sst s1;
	(tag) =	ssettag s2;
	_ =	strace s9  }
0x27: {  	s1 =	sld [smem:$0x3FAB]  }
0x28: {  	s2 =	sld [smem:$0x3FAC]  }
0x29: {  	s4 =	sld [smem:$0x3FAE]  }
0x2a: {  	p0 =	seq.s32 s5, $0x0;
	s5 =	sld [smem:$0x3FAF]  }
0x2b: {  	s6 =	sld [smem:$0x3FB0]  }
0x2c: {  	s7 =	sld [smem:$0x3FB1]  }
0x2d: {  	s3 =	simm.s32 $0x108;
	s8 =	sld [smem:$0x3FB2]  }
0x2e: {  	s3 =	simm.s32 @!p0 $0x1082;
	s9 =	sld [smem:$0x3FB3]  }
0x2f: {  	lr =	sadd.s32 s0, s3;
	s0 =	sld [smem:$0x3FAA]  }
0x30: {  	s3 =	sld [smem:$0x3FAD]  }
0x31: {  	[smem:$0x3FB6] =	sst s10  }
0x32: {  	s10 =	sld [smem:$0x3FB4];
	_ =	sdelay $0x3  }
0x33: {  	p0 =	seq.s32 s10, $0x1;
	s10 =	sld [smem:$0x3FB6];
	_ =	sdelay $0x3  }
0x34: {  	[smem:$0x3FB6] =	sst s10  }
0x35: {  	s10 =	sld [smem:$0x3FB5];
	_ =	sdelay $0x3  }
0x36: {  	p1 =	seq.s32 s10, $0x1;
	s10 =	sld [smem:$0x3FB6];
	_ =	sdelay $0x3  }
0x37: {  	[smem:$0x3FB6] =	sst s10  }
0x38: {  	s10 =	sld [smem:$0x3FB7]  }
0x39: {  	_ = 	snop;
	(pc) =	sbr.ind lr, $3  }
0x3a: {  	_ = 	snop  }
0x3b: {  	_ = 	snop  }
0x3c: {  	p2 =	seq.s32 s10, $0x1;
	s10 =	sld [smem:$0x3FB6]  }
0x3d: {  	_ =	shalt  }
0x3e: {  	_ =	shalt  }
0x3f: {  	_ =	shalt  }
0x40: {  	_ =	shalt  }
0x41: {  	_ =	shalt  }
0x42: {  	_ =	shalt  }
0x43: {  	_ =	shalt  }
0x44: {  	_ =	shalt  }
0x45: {  	_ =	shalt  }
0x46: {  	_ =	shalt  }
0x47: {  	_ =	shalt  }
0x48: {  	_ =	shalt  }
0x49: {  	_ =	shalt  }
0x4a: {  	_ =	shalt  }
0x4b: {  	_ =	shalt  }
0x4c: {  	_ =	shalt  }
0x4d: {  	_ =	shalt  }
0x4e: {  	_ =	shalt  }
0x4f: {  	_ =	shalt  }
0x50: {  	_ =	shalt  }
0x51: {  	_ =	shalt  }
0x52: {  	_ =	shalt  }
0x53: {  	_ =	shalt  }
0x54: {  	_ =	shalt  }
0x55: {  	_ =	shalt  }
0x56: {  	_ =	shalt  }
0x57: {  	_ =	shalt  }
0x58: {  	_ =	shalt  }
0x59: {  	_ =	shalt  }
0x5a: {  	_ =	shalt  }
0x5b: {  	_ =	shalt  }
0x5c: {  	_ =	shalt  }
0x5d: {  	_ =	shalt  }
0x5e: {  	_ =	shalt  }
0x5f: {  	_ =	shalt  }
0x60: {  	_ =	shalt  }
0x61: {  	_ =	shalt  }
0x62: {  	_ =	shalt  }
0x63: {  	_ =	shalt  }
0x64: {  	_ =	shalt  }
0x65: {  	_ =	shalt  }
0x66: {  	_ =	shalt  }
0x67: {  	_ =	shalt  }
0x68: {  	_ =	shalt  }
0x69: {  	_ =	shalt  }
0x6a: {  	_ =	shalt  }
0x6b: {  	_ =	shalt  }
0x6c: {  	_ =	shalt  }
0x6d: {  	_ =	shalt  }
0x6e: {  	_ =	shalt  }
0x6f: {  	_ =	shalt  }
0x70: {  	_ =	shalt  }
0x71: {  	_ =	shalt  }
0x72: {  	_ =	shalt  }
0x73: {  	_ =	shalt  }
0x74: {  	_ =	shalt  }
0x75: {  	_ =	shalt  }
0x76: {  	_ =	shalt  }
0x77: {  	_ =	shalt  }
0x78: {  	_ =	shalt  }
0x79: {  	_ =	shalt  }
0x7a: {  	_ =	shalt  }
0x7b: {  	_ =	shalt  }
0x7c: {  	_ =	shalt  }
0x7d: {  	_ =	shalt  }
0x7e: {  	_ =	shalt  }
0x7f: {  	_ =	shalt  }
0x80: {  	_ =	shalt  }
0x81: {  	_ =	shalt  }
0x82: {  	_ =	shalt  }
0x83: {  	_ =	shalt  }
0x84: {  	_ =	shalt  }
0x85: {  	_ =	shalt  }
0x86: {  	_ =	shalt  }
0x87: {  	_ =	shalt  }
.Lfunc_end0:
.L_simem_size_0:
called_computation_lowered:
.L_overlay_start_0:
0x88: {  	s2 =	sld [smem:$0x3FD9]  }
0x89: {  	s3 =	sld [smem:$0x3FFE];
	_ =	sdelay $0x1  }
0x8a: {  	s1 =	srdreg.scid  }
0x8b: {  	s0 =	sand.u32 $0x1, s1  }
0x8c: {  	s17 =	sshll.u32 s0, $0xA;
	s2 =	sadd.s32 s3, s2  }
0x8d: {  	s2 =	sadd.s32 s2, s17  }
0x8e: {  	[smem:$0x3FC2] =	sst s2  }
0x8f: {  	_ = 	snop  }
0x90: {  	s2 =	sld [smem:$0x3FD0];
	(tm) =	ssettm $0x1  }
0x91: {  	s18 =	sld [smem:$0x3FFB];
	_ =	sdelay $0x3  }
0x92: {  	_ =	strace s18  }
0x93: {  	s3 =	sld [smem:$0x3FFC];
	_ =	sdelay $0x3  }
0x94: {  	_ =	strace s3  }
0x95: {  	s3 =	sld [smem:$0x3FFD];
	_ =	sdelay $0x3  }
0x96: {  	_ =	strace s3  }
0x97: {  	_ =	strace $0x8FFFFFFF  }
0x98: {  	s19 =	sld [smem:$0x3FDB];
	_ =	sdelay $0x1  }
0x99: {  	s4 =	simm.s32 $_scs_section_size  }
0x9a: {  	s5 =	simm.s32 $_size__tile_overlayer_lowered;
	s6 =	simm.s32 $_tile_overlayer_lowered  }
0x9b: {  	s22 =	simm.s32 $0x1BFF;
	s21 =	sshll.u32 s6, $0x1;
	s3 =	sadd.s32 s4, s19  }
0x9c: {  	s7 =	simm.s32 $0x0;
	s20 =	sshll.u32 s5, $0x1;
	s5 =	sadd.s32 s21, s3  }
0x9d: {  	[timem:s7], [sflag:s22] =	dma.local [hbm:s5], s20  }
0x9e: {  	_ =	swait.ge [sflag:s22], s20  }
0x9f: {  	s4 =	ssub.s32 $0x0, s20;
	[sflag:s22] =	ssyncset.done $0x0  }
0xa0: {  	[sflag:s22] =	ssyncadd.s32 s4;
	_ =	sdelay $0x1  }
0xa1: {  	s23 =	simm.s32 $0x1B8B  }
0xa2: {  	_ =	swait.ge [sflag:s23], $0x1  }
0xa3: {  	[sflag:s23] =	ssyncset.done $0x0  }
0xa4: {  	s25 =	simm.s32 $0x1B8E;
	s24 =	sld [smem:$0x3FFE];
	[sflag:s23] =	ssyncadd.s32 $0xFFFFFFFF  }
0xa5: {  	s26 =	simm.s32 $execute0_lowered;
	[smem:$0x3FD2] =	sst s25  }
0xa6: {  	s5 =	sshll.u32 s26, $0x1;
	_ =	strace $0x80000046;
	[dreg:$0x1] =	wrdreg $0xFFFFFFFF  }
0xa7: {  	s28 =	simm.s32 $_size_execute0_lowered;
	s3 =	sadd.s32 s3, s5;
	[dreg:$0x0] =	wrdreg $0x0  }
0xa8: {  	s5 =	sshll.u32 s28, $0x1;
	[dreg:$0x2] =	wrdreg s3  }
0xa9: {  	[dreg:$0x3] =	wrdreg s5  }
0xaa: {  	[dreg:$0x4] =	wrdreg $0xC0  }
0xab: {  	_ =	task [dreg:s7], $0x5FFFF  }
0xac: {  	[dreg:$0x1] =	wrdreg $0xFFFFFFFF  }
0xad: {  	[dreg:$0x0] =	wrdreg $0x60  }
0xae: {  	[dreg:$0x2] =	wrdreg s2  }
0xaf: {  	[dreg:$0x3] =	wrdreg s24  }
0xb0: {  	[dreg:$0x4] =	wrdreg $0x9  }
0xb1: {  	_ =	task.clear_ibuf [dreg:s7], $0x5FFFF;
	_ =	strace $0x90000046  }
0xb2: {  	s29 =	simm.s32 $0x9;
	_ =	strace $0x80000048  }
0xb3: {  	_ =	swait.ge [sflag:s29], $0x1  }
0xb4: {  	[sflag:s29] =	ssyncadd.s32 $0xFFFFFFFF  }
0xb5: {  	_ =	strace $0x90000048  }
0xb6: {  	_ =	sfence  }
0xb7: {  	s30 =	sld [smem:$0x0];
	_ =	sdelay $0x2  }
0xb8: {  	s31 =	sshll.u32 s1, $0xD;
	s1 =	sshrl.u32 s1, $0x2  }
0xb9: {  	s3 =	sand.u32 $0x4000, s31;
	s1 =	sadd.s32 s1, s30  }
0xba: {  	s0 =	sor.u32 s3, s0;
	s1 =	sshll.u32 s1, $0x11  }
0xbb: {  	s0 =	sor.u32 s1, s0  }
0xbc: {  	s0 =	sadd.s32 $0x8F2B, s0  }
0xbd: {  	[sflag:s0] =	ssyncadd.remote.s32 $0x1  }
0xbe: {  	_ =	sfence.sel $0xFFFF  }
0xbf: {  	[dreg:$0x0] =	wrdreg $0xFFFFFFFF;
	(pc) =	sbr.abs _section_cstart, $3  }
0xc0: {  	[dreg:$0x1] =	wrdreg $0xFFFFFFFF  }
0xc1: {  	_ =	task.clear_ibuf [dreg:s7], $0x2FFFF;
	_ =	strace $0x9FFFFFFF  }
0xc2: {  	(tm) =	ssettm $0x7FFFFFFF  }
0xc3: {  	_ =	shalt  }
tec
execute0_lowered:
.L_overlay_start_1:
0x0: {  	(tag) =	ssettag $0x1  }
0x1: {  	s5 =	rddreg [dreg:$0x0];
	s1 =	srdreg.scid  }
0x2: {  	s0 =	stileid.u32;
	s4 =	rddreg [dreg:$0x1]  }
0x3: {  	s2 =	simm.s32 $0x0;
	s10 =	simm.s32 $0x1C00;
	s11 =	simm.s32 $0x3800  }
0x4: {  	s12 =	simm.s32 $0x80;
	s3 =	sand.u32 $0x1, s1;
	s6 =	sshll.u32 s0, $0x1  }
0x5: {  	s13 =	simm.s32 $0x1;
	s14 =	simm.s32 $0x0;
	s6 =	sor.u32 s3, s6  }
0x6: {  	[smem:$0x7FF] =	sst s2;
	s7 =	ssub.s32 $0x2, s3;
	s6 =	smul.u32 $0x380, s6  }
0x7: {  	s1 =	rddreg [dreg:$0x2];
	_ =	strace $0x80000047;
	s9 =	sshrl.u32 s7, $0x1  }
0x8: {  	s3 =	sadd.s32 $0xFC00, s4;
	s9 =	ssub.s32 s7, s9;
	s8 =	sadd.s32 s6, s4  }
0x9: {  	s4 =	sadd.s32 $0x15E00, s4;
	s5 =	sadd.s32 s5, s6;
	s6 =	sadd.s32 $0x1C00, s8  }
0xa: {  	s7 =	sadd.s32 $0x8C00, s8;
	s8 =	smax.u32 s9, $0x1;
	s9 =	simm.s32 $0x2  }
.LBB2_1:
0xb: {  	[tilespmem:s2], [sflag:$0x2] =	stream.linear.gather [hbm4b:s5+s2], $0x1880, $0x38;
	[tilespmem:$0x5400] =	vst v63  }
0xc: {  	_ =	swait.ge [sflag:s9], $0x1880  }
0xd: {  	[sflag:s9] =	ssyncset.done $0x0  }
0xe: {  	[sflag:s9] =	ssyncadd.s32 $0xFFFFE780  }
0xf: {  	[tilespmem:s10], [sflag:$0x2] =	stream.linear.gather [hbm4b:s6+s2], $0x1880, $0x38;
	[tilespmem:$0x5400] =	vst v63  }
0x10: {  	_ =	swait.ge [sflag:s9], $0x1880  }
0x11: {  	[sflag:s9] =	ssyncset.done $0x0  }
0x12: {  	[sflag:s9] =	ssyncadd.s32 $0xFFFFE780  }
0x13: {  	[tilespmem:s11], [sflag:$0x2] =	stream.linear.gather [hbm4b:s7+s2], $0x1880, $0x38;
	[tilespmem:$0x5400] =	vst v63  }
0x14: {  	_ =	swait.ge [sflag:s9], $0x1880  }
0x15: {  	[sflag:s9] =	ssyncset.done $0x0  }
0x16: {  	s15 =	simm.s32 $0x0;
	s16 =	simm.s32 $0x3800;
	[sflag:s9] =	ssyncadd.s32 $0xFFFFE780  }
0x17: {  	[hbm4b:s3+s12] =	stream.indirect.scatter [tilespmem:s16], [sflag:$0x1], $0x1, s15, s12, $0xb8;
	[tilespmem:$0x5400] =	vst v63  }
0x18: {  	s31 =	simm.s32 $0x1C00  }
0x19: {  	[hbm4b:s4+s12] =	stream.indirect.scatter [tilespmem:s31], [sflag:$0x1], $0x1, s15, s12, $0xb8;
	[tilespmem:$0x5400] =	vst v63  }
0x1a: {  	_ =	swait.ge [sflag:s13], $0x80  }
0x1b: {  	[sflag:s13] =	ssyncset.done $0x0  }
0x1c: {  	[sflag:s13] =	ssyncadd.s32 $0xFFFFFF80  }
0x1d: {  	_ =	swait.ge [sflag:s13], $0x80  }
0x1e: {  	s16 =	simm.s32 $0x400;
	s15 =	simm.s32 $0x80;
	[sflag:s13] =	ssyncset.done $0x0  }
.LBB2_2:
0x1f: {  	s17 =	sadd.s32 $0x3800, s15  }
0x20: {  	[sflag:s13] =	ssyncadd.s32 $0xFFFFFF80;
	s18 =	smov.u32 s16;
	s19 =	sadd.s32 $0x200, s16  }
0x21: {  	[hbm4b:s3+s12] =	stream.indirect.scatter [tilespmem:s17], [sflag:$0x1], $0x1, s15, s12, $0xb8;
	[tilespmem:$0x5400] =	vst v63  }
0x22: {  	p0 =	sne.s32 s16, $0x6000;
	s16 =	sadd.s32 $0x1C00, s15  }
0x23: {  	[hbm4b:s4+s12] =	stream.indirect.scatter [tilespmem:s16], [sflag:$0x1], $0x1, s15, s12, $0xb8;
	[tilespmem:$0x5400] =	vst v63  }
.Ltmp0:
0x24: {  	_ =	swait.ge [sflag:s13], $0x80;
	(pc) =	sbr.rel @p0 .LBB2_2-.Ltmp0, $4  }
0x25: {  	[sflag:s13] =	ssyncset.done $0x0  }
0x26: {  	[sflag:s13] =	ssyncadd.s32 $0xFFFFFF80  }
0x27: {  	_ =	swait.ge [sflag:s13], $0x80  }
0x28: {  	s15 =	sshra.s32 s18, $0x2;
	s16 =	smov.u32 s19;
	[sflag:s13] =	ssyncset.done $0x0  }
0x29: {  	s16 =	sadd.s32 $0x3800, s15;
	[sflag:s13] =	ssyncadd.s32 $0xFFFFFF80  }
0x2a: {  	[hbm4b:s3+s12] =	stream.indirect.scatter [tilespmem:s16], [sflag:$0x1], $0x1, s15, s12, $0xb8;
	[tilespmem:$0x5400] =	vst v63  }
0x2b: {  	s31 =	sadd.s32 $0x1C00, s15;
	s14 =	sadd.s32 $0x1, s14  }
0x2c: {  	[hbm4b:s4+s12] =	stream.indirect.scatter [tilespmem:s31], [sflag:$0x1], $0x1, s15, s12, $0xb8;
	[tilespmem:$0x5400] =	vst v63  }
0x2d: {  	p0 =	sne.s32 s14, s8;
	_ =	swait.ge [sflag:s13], $0x80  }
.Ltmp1:
0x2e: {  	[sflag:s13] =	ssyncset.done $0x0;
	(pc) =	sbr.rel @p0 .LBB2_1-.Ltmp1, $4  }
0x2f: {  	[sflag:s13] =	ssyncadd.s32 $0xFFFFFF80  }
0x30: {  	_ =	swait.ge [sflag:s13], $0x80  }
0x31: {  	[sflag:s13] =	ssyncset.done $0x0  }
0x32: {  	[sflag:s13] =	ssyncadd.s32 $0xFFFFFF80  }
0x33: {  	_ =	sfence.sel $0x180000  }
0x34: {  	[bflag:$0x0] =	sbarrier.arrive $0xFFFF  }
0x35: {  	p0 =	sne.s32 s0, $0x0;
	_ =	strace $0x90000047  }
0x36: {  	s0 =	sadd.s32 @!p0 $0x100000, s1;
	[bflag:$0x2] =	sbarrier.arrive $0xFFFF  }
0x37: {  	[sflag:s0] =	ssyncadd.tile.s32 @!p0 $0x1;
	_ =	shalt  }
.Lfunc_end2:
_tile_overlayer_lowered:
.L_overlay_start_2:
0x38: {  	(tag) =	ssettag $0x2  }
0x39: {  	s0 =	rddreg [dreg:$0x0];
	s2 =	stileid.u32  }
0x3a: {  	s1 =	rddreg [dreg:$0x1];
	p0 =	sne.s32 s2, $0x0  }
0x3b: {  	s3 =	rddreg [dreg:$0x2];
	[bflag:$0x3] =	sbarrier.arrive $0xFFFF;
	s2 =	simm.s32 @!p0 $0x1C02  }
0x3c: {  	[timem:s3], [sflag:s2] =	dma.local @!p0 [hbm:s0], s1  }
0x3d: {  	s0 =	simm.s32 @!p0 $0x2  }
0x3e: {  	_ =	swait.ge @!p0 [sflag:s0], s1  }
0x3f: {  	s1 =	ssub.s32 @!p0 $0x0, s1;
	[sflag:s0] =	ssyncset.done @!p0 $0x0  }
0x40: {  	[sflag:s0] =	ssyncadd.s32 @!p0 s1  }
0x41: {  	[bflag:$0x3] =	sbarrier.arrive $0xFFFF  }
0x42: {  	_ =	shalt  }

</sc_bundles>
